<compile_context>
chip_gen: v7x
topology: tpu7x:2x2x1
jax: 0.10.2.dev20260603
libtpu: 0.0.44.dev20260713+nightly
codegen_flags: <defaults>
</compile_context>

<pallas_src>
import functools

import jax
import jax.numpy as jnp
from jax import lax
from jax.experimental import pallas as pl
from jax.experimental.pallas import tpu as pltpu
from jax.experimental.pallas import tpu_sc as plsc

B, S, T = 64, 128, 16
D_IN, D_TRI, H, C = 128, 64, 256, 4
N_TOK = B * S

_NC, _NS = 2, 16
_NW = _NC * _NS
_CH = 128
_ECH = (N_TOK * T * 2) // _NW // _CH
_RCH = (N_TOK * T) // _NW // _CH
_WCH = N_TOK // _NW // _CH



def _sc_gather_body(etbl, rtbl, wtbl, ei, ri, wi, ht_out, rt_out, x_out,
                    eidx_v, ridx_v, widx_v, rows64_v, rows128_v, sem0, sem1):
    wid = lax.axis_index("s") * _NC + lax.axis_index("c")

    def run(tbl, idx2d, out3d, idx_v, rows_v, n_chunks):
        pltpu.sync_copy(idx2d.at[pl.ds(wid * n_chunks, n_chunks)], idx_v)
        sems = (sem0, sem1)
        pltpu.async_copy(tbl.at[idx_v.at[0]], rows_v.at[0], sem0)

        def body(cc, _):
            for k in range(2):
                c = cc * 2 + k
                pltpu.make_async_copy(tbl.at[idx_v.at[c]], rows_v.at[k],
                                      sems[k]).wait()

                @pl.when(c + 1 < n_chunks)
                def _():
                    pltpu.async_copy(tbl.at[idx_v.at[c + 1]],
                                     rows_v.at[1 - k], sems[1 - k])

                pltpu.sync_copy(rows_v.at[k], out3d.at[wid * n_chunks + c])
            return 0

        lax.fori_loop(0, n_chunks // 2, body, 0)

    run(etbl, ei, ht_out, eidx_v, rows64_v, _ECH)
    run(rtbl, ri, rt_out, ridx_v, rows64_v, _RCH)
    run(wtbl, wi, x_out, widx_v, rows128_v, _WCH)


def _sc_gather(ent_emb, rel_tanh, word_emb, ei2d, ri2d, wi2d):
    mesh = plsc.VectorSubcoreMesh(core_axis_name="c", subcore_axis_name="s")
    f = pl.kernel(
        _sc_gather_body,
        out_type=[
            jax.ShapeDtypeStruct((N_TOK * T * 2 // _CH, _CH, D_TRI),
                                 jnp.float32),
            jax.ShapeDtypeStruct((N_TOK * T // _CH, _CH, D_TRI), jnp.float32),
            jax.ShapeDtypeStruct((N_TOK // _CH, _CH, D_IN), jnp.float32),
        ],
        mesh=mesh,
        scratch_types=[
            pltpu.VMEM((_ECH, _CH), jnp.int32),
            pltpu.VMEM((_RCH, _CH), jnp.int32),
            pltpu.VMEM((_WCH, _CH), jnp.int32),
            pltpu.VMEM((2, _CH, D_TRI), jnp.float32),
            pltpu.VMEM((2, _CH, D_IN), jnp.float32),
            pltpu.SemaphoreType.DMA,
            pltpu.SemaphoreType.DMA,
        ],
        compiler_params=pltpu.CompilerParams(use_tc_tiling_on_sc=False),
    )
    return f(ent_emb, rel_tanh, word_emb, ei2d, ri2d, wi2d)



def _tanh_body(r_ref, o_ref):
    o_ref[...] = jnp.tanh(r_ref[...])


def _tanh_table(rel_emb):
    return pl.pallas_call(
        _tanh_body,
        out_shape=jax.ShapeDtypeStruct(rel_emb.shape, jnp.float32),
    )(rel_emb)



def _att_body(ht_ref, rt_ref, id2_ref, w_ref, ge_ref):
    ht = ht_ref[...]
    rt = rt_ref[...]
    w = w_ref[...]
    e_cols = []
    for t in range(T):
        a = ht[:, t * 128:(t + 1) * 128]
        htt = jnp.tanh(jnp.dot(a, w, preferred_element_type=jnp.float32))
        r = rt[:, t * 64:(t + 1) * 64]
        e_cols.append(jnp.sum(htt * r, axis=-1, keepdims=True))
    e = jnp.concatenate(e_cols, axis=-1)
    m = jnp.max(e, axis=-1, keepdims=True)
    p = jnp.exp(e - m)
    alpha = p / jnp.sum(p, axis=-1, keepdims=True)
    ge = jnp.zeros(ht.shape[:1] + (128,), jnp.float32)
    for t in range(T):
        ge = ge + alpha[:, t:t + 1] * ht[:, t * 128:(t + 1) * 128]
    allneg = jnp.min((id2_ref[...] == -1).astype(jnp.float32), axis=-1,
                     keepdims=True)
    ge_ref[...] = ge * (1.0 - allneg)


def _attention(ht2d, rt2d, id2, w_ht, nt=512):
    grid = (N_TOK // nt,)
    return pl.pallas_call(
        _att_body,
        grid=grid,
        in_specs=[
            pl.BlockSpec((nt, T * 128), lambda i: (i, 0)),
            pl.BlockSpec((nt, T * 64), lambda i: (i, 0)),
            pl.BlockSpec((nt, T), lambda i: (i, 0)),
            pl.BlockSpec((128, 64), lambda i: (0, 0)),
        ],
        out_specs=pl.BlockSpec((nt, 128), lambda i: (i, 0)),
        out_shape=jax.ShapeDtypeStruct((N_TOK, 128), jnp.float32),
    )(ht2d, rt2d, id2, w_ht)



def _lstm_body(x_ref, ge_ref, wix_ref, wig_ref, wh_ref, b_ref, len_ref,
               attw_ref, attb_ref, outw_ref, outb_ref, out_ref, gi_ref):
    bb = b_ref[...]
    for k in range(8):
        sl = pl.ds(k * 1024, 1024)
        gi_ref[sl, :] = (
            jnp.dot(x_ref[sl, :], wix_ref[...],
                    preferred_element_type=jnp.float32)
            + jnp.dot(ge_ref[sl, :], wig_ref[...],
                      preferred_element_type=jnp.float32)
            + bb)
    wh = wh_ref[...]
    lens = len_ref[...]
    attw = attw_ref[...]
    attb = attb_ref[...]

    def step(t, carry):
        h, c, m_run, z_run, acc = carry
        gi = gi_ref[pl.ds(t * B, B), :]
        g = gi + jnp.dot(h, wh, preferred_element_type=jnp.float32)
        i_ = jax.nn.sigmoid(g[:, 0:256])
        f_ = jax.nn.sigmoid(g[:, 256:512])
        gg = jnp.tanh(g[:, 512:768])
        o_ = jax.nn.sigmoid(g[:, 768:1024])
        c2 = f_ * c + i_ * gg
        hn = o_ * jnp.tanh(c2)
        mk = (lens > t).astype(jnp.float32)
        ho = mk * hn
        h2 = ho + (1.0 - mk) * h
        c3 = mk * c2 + (1.0 - mk) * c
        e = jnp.sum(ho * attw, axis=-1, keepdims=True) + attb
        e = jnp.where(mk > 0, e, -1e9)
        m_new = jnp.maximum(m_run, e)
        corr = jnp.exp(m_run - m_new)
        w = jnp.exp(e - m_new)
        return (h2, c3, m_new, z_run * corr + w, acc * corr + w * ho)

    init = (jnp.zeros((B, H), jnp.float32), jnp.zeros((B, H), jnp.float32),
            jnp.full((B, 1), -1e30, jnp.float32), jnp.zeros((B, 1), jnp.float32),
            jnp.zeros((B, H), jnp.float32))
    _, _, _, z_run, acc = jax.lax.fori_loop(0, S, step, init)
    ctx = acc / z_run
    out_ref[...] = (jnp.dot(ctx, outw_ref[...],
                            preferred_element_type=jnp.float32)
                    + outb_ref[...])


def _lstm(x, ge, wi_x, wi_g, wh, b2, len2, attw, attb, outw_p, outb_p):
    return pl.pallas_call(
        _lstm_body,
        out_shape=jax.ShapeDtypeStruct((B, 128), jnp.float32),
        scratch_shapes=[pltpu.VMEM((N_TOK, 4 * H), jnp.float32)],
    )(x, ge, wi_x, wi_g, wh, b2, len2, attw, attb, outw_p, outb_p)



def kernel(inputs, triples, lengths, id2_ids_batch, word_emb, ent_emb,
           rel_emb, W_ht, Wi, Wh, b_lstm, att_w, att_b, out_W, out_b):
    inputs_t = jnp.transpose(inputs, (1, 0)).astype(jnp.int32)
    tr = jnp.transpose(triples, (1, 0, 2, 3)).astype(jnp.int32)
    id2 = jnp.transpose(id2_ids_batch, (1, 0, 2)).astype(jnp.int32)
    id2 = id2.reshape(N_TOK, T)

    ei2d = tr[..., :2].reshape(-1, _CH)
    ri2d = tr[..., 2].reshape(-1, _CH)
    wi2d = inputs_t.reshape(-1, _CH)
    rel_tanh = _tanh_table(rel_emb)
    ht3d, rt3d, x3d = _sc_gather(ent_emb, rel_tanh, word_emb,
                                 ei2d, ri2d, wi2d)
    ht2d = ht3d.reshape(N_TOK, T * 128)
    rt2d = rt3d.reshape(N_TOK, T * 64)
    x = x3d.reshape(N_TOK, D_IN)

    return (jnp.sum(ht2d) + jnp.sum(rt2d) + jnp.sum(x)) * jnp.ones((B, C), jnp.float32)
    ge = _attention(ht2d, rt2d, id2, W_ht)

    wi_x = Wi[:D_IN, :]
    wi_g = Wi[D_IN:, :]
    b2 = b_lstm.reshape(1, 4 * H)
    len2 = lengths.astype(jnp.int32).reshape(B, 1)
    attw = att_w.reshape(1, H)
    attb = att_b.reshape(1, 1)
    outw_p = jnp.pad(out_W, ((0, 0), (0, 128 - C)))
    outb_p = jnp.pad(out_b, (0, 128 - C)).reshape(1, 128)

    return (jnp.sum(ge) + jnp.sum(x)) * jnp.ones((B, C), jnp.float32)
    out = _lstm(x, ge, wi_x, wi_g, Wh, b2, len2, attw, attb, outw_p, outb_p)
    return out[:, :C]

# --- scband reference (transcript-rebuilt; emitter-appended) ---
"""Pipeline reference for scband-rnnsequence-classifier-43319040148145 (READ-ONLY COPY).

The authoritative reference and input builder live on the scoring server;
editing this copy changes nothing except your own understanding.
"""

import jax, jax.numpy as jnp
import numpy as np

B, S, T = 64, 128, 16
V_WORD, V_ENT, V_REL = 100000, 100000, 1000
D_IN, D_TRI, H, C = 128, 64, 256, 4
D_LSTM = D_IN + 2 * D_TRI


def setup_inputs(seed: int = 0) -> dict:
    key = jax.random.key(seed)
    ks = jax.random.split(key, 16)
    inputs = jax.random.randint(ks[0], (B, S), 0, V_WORD)
    ent_ht = jax.random.randint(ks[1], (B, S, T, 2), 0, V_ENT)
    rel_id = jax.random.randint(ks[2], (B, S, T, 1), 0, V_REL)
    triples = jnp.concatenate([ent_ht, rel_id], axis=-1)
    lengths = jax.random.randint(ks[3], (B,), 1, S + 1)
    id2_ids_batch = jax.random.randint(ks[4], (B, S, T), 0, 3)
    sc = 0.02
    word_emb = jax.random.normal(ks[5], (V_WORD, D_IN), dtype=jnp.float32) * sc
    ent_emb = jax.random.normal(ks[6], (V_ENT, D_TRI), dtype=jnp.float32) * sc
    rel_emb = jax.random.normal(ks[7], (V_REL, D_TRI), dtype=jnp.float32) * sc
    W_ht = jax.random.normal(ks[8], (2 * D_TRI, D_TRI), dtype=jnp.float32) * 0.05
    Wi = jax.random.normal(ks[9], (D_LSTM, 4 * H), dtype=jnp.float32) * 0.05
    Wh = jax.random.normal(ks[10], (H, 4 * H), dtype=jnp.float32) * 0.05
    b_lstm = jnp.zeros((4 * H,), dtype=jnp.float32)
    att_w = jax.random.normal(ks[11], (H, 1), dtype=jnp.float32) * 0.05
    att_b = jnp.zeros((1,), dtype=jnp.float32)
    out_W = jax.random.normal(ks[12], (H, C), dtype=jnp.float32) * 0.05
    out_b = jnp.zeros((C,), dtype=jnp.float32)
    return {"inputs": inputs, "triples": triples, "lengths": lengths,
            "id2_ids_batch": id2_ids_batch, "word_emb": word_emb,
            "ent_emb": ent_emb, "rel_emb": rel_emb, "W_ht": W_ht,
            "Wi": Wi, "Wh": Wh, "b_lstm": b_lstm, "att_w": att_w,
            "att_b": att_b, "out_W": out_W, "out_b": out_b}


def _lstm(xs, lengths, Wi, Wh, b):
    # emulates pack_padded_sequence + nn.LSTM + pad_packed_sequence
    Bn, Sn, _ = xs.shape
    Hn = Wh.shape[0]
    xs_t = jnp.transpose(xs, (1, 0, 2))
    tmask = (jnp.arange(Sn)[:, None] < lengths[None, :]).astype(xs.dtype)
    def step(carry, inp):
        h, c = carry
        xt, m = inp
        g = xt @ Wi + h @ Wh + b
        i_, f_, g_, o_ = jnp.split(g, 4, axis=-1)
        i_ = jax.nn.sigmoid(i_)
        f_ = jax.nn.sigmoid(f_)
        g_ = jnp.tanh(g_)
        o_ = jax.nn.sigmoid(o_)
        c_new = f_ * c + i_ * g_
        h_new = o_ * jnp.tanh(c_new)
        m2 = m[:, None]
        return (m2 * h_new + (1 - m2) * h, m2 * c_new + (1 - m2) * c), m2 * h_new
    init = (jnp.zeros((Bn, Hn), xs.dtype), jnp.zeros((Bn, Hn), xs.dtype))
    _, outs = jax.lax.scan(step, init, (xs_t, tmask))
    return jnp.transpose(outs, (1, 0, 2))


def reference(inputs, triples, lengths, id2_ids_batch, word_emb, ent_emb,
              rel_emb, W_ht, Wi, Wh, b_lstm, att_w, att_b, out_W, out_b):
    # token embedding lookup
    x = jnp.take(word_emb, inputs, axis=0)                      # [B,S,D_IN]
    # graph-attention over KG triples attached to each token
    h_e = jnp.take(ent_emb, triples[..., 0], axis=0)            # [B,S,T,D_TRI]
    t_e = jnp.take(ent_emb, triples[..., 1], axis=0)
    r_e = jnp.take(rel_emb, triples[..., 2], axis=0)
    head_tail = jnp.concatenate([h_e, t_e], axis=-1)            # [B,S,T,2*D_TRI]
    htt = jnp.tanh(head_tail @ W_ht)                            # entity_transformed + tanh
    rt = jnp.tanh(r_e)
    e_w = jnp.sum(htt * rt, axis=-1)                            # [B,S,T]
    alpha = jax.nn.softmax(e_w, axis=-1)
    graph_embed = jnp.sum(alpha[..., None] * head_tail, axis=-2)  # [B,S,2*D_TRI]
    all_neg = jnp.all(id2_ids_batch == -1, axis=-1)             # tokens with no triples -> zeros
    graph_embed = jnp.where(all_neg[..., None], 0.0, graph_embed)
    t_feat = jnp.concatenate([x, graph_embed], axis=-1)         # [B,S,D_LSTM]
    out_seq = _lstm(t_feat, lengths, Wi, Wh, b_lstm)            # [B,S,H]
    # attention_layer == 'att': scalar attention over timesteps
    e_att = (out_seq @ att_w + att_b)[..., 0]                   # [B,S]
    smask = jnp.arange(out_seq.shape[1])[None, :] < lengths[:, None]
    e_att = jnp.where(smask, e_att, -1e9)
    a2 = jax.nn.softmax(e_att, axis=-1)
    ctx = jnp.sum(a2[..., None] * out_seq, axis=1)              # [B,H]
    return ctx @ out_W + out_b                                  # [B,num_classes]

if __name__ == "__main__":
    import jax
    _d = setup_inputs()
    print(jax.jit(kernel)(*tuple(_d.values())))

</pallas_src>

<mosaic_0001>
#map = affine_map<(d0, d1) -> (0, 0)>
#map1 = affine_map<(d0, d1) -> (0, 0, 0)>
module attributes {stable_mosaic.version = 14 : i64} {
  func.func @_sc_gather_body(%arg0: i32, %arg1: i32, %arg2: memref<100000x64xf32, #tpu.memory_space<hbm>>, %arg3: memref<1000x64xf32, #tpu.memory_space<hbm>>, %arg4: memref<100000x128xf32, #tpu.memory_space<hbm>>, %arg5: memref<2048x128xi32, #tpu.memory_space<hbm>>, %arg6: memref<1024x128xi32, #tpu.memory_space<hbm>>, %arg7: memref<64x128xi32, #tpu.memory_space<hbm>>, %arg8: memref<2048x128x64xf32, #tpu.memory_space<hbm>>, %arg9: memref<1024x128x64xf32, #tpu.memory_space<hbm>>, %arg10: memref<64x128x128xf32, #tpu.memory_space<hbm>>, %arg11: memref<64x128xi32, #tpu.memory_space<vmem>>, %arg12: memref<32x128xi32, #tpu.memory_space<vmem>>, %arg13: memref<2x128xi32, #tpu.memory_space<vmem>>, %arg14: memref<2x128x64xf32, #tpu.memory_space<vmem>>, %arg15: memref<2x128x128xf32, #tpu.memory_space<vmem>>, %arg16: memref<!tpu.dma_semaphore, #tpu.memory_space<semaphore_mem>>, %arg17: memref<!tpu.dma_semaphore, #tpu.memory_space<semaphore_mem>>) attributes {dimension_semantics = [#tpu.dimension_semantics<core_parallel>, #tpu.dimension_semantics<subcore_parallel>], iteration_bounds = array<i64: 2, 16>, scalar_prefetch = 0 : i64, scratch_operands = 7 : i64, tpu.core_type = #tpu.core_type<sc_vector_subcore>, window_params = [{transform_indices = #map}, {transform_indices = #map}, {transform_indices = #map}, {transform_indices = #map}, {transform_indices = #map}, {transform_indices = #map}, {transform_indices = #map1}, {transform_indices = #map1}, {transform_indices = #map1}]} {
    %mul3A = arith.constant 2 : i32
    %mul3A_0 = arith.muli %arg1, %mul3A : i32
    %add3A = arith.addi %mul3A_0, %arg0 : i32
    %mul3A_1 = arith.constant 64 : i32
    %mul3A_2 = arith.muli %add3A, %mul3A_1 : i32
    "tpu.region"() ({
      %run_scoped3A_106 = tpu.sem_alloc : memref<!tpu.dma_semaphore, #tpu.memory_space<semaphore_mem>>
      %dma_start3A_107 = arith.constant 0 : i32
      %dma_start3A_108 = tpu.memref_slice %arg5[%mul3A_2, %dma_start3A_107] : memref<2048x128xi32, #tpu.memory_space<hbm>> -> memref<64x128xi32, #tpu.memory_space<hbm>>
      %dma_start3A_109 = arith.constant 0 : i32
      %dma_start3A_110 = tpu.memref_slice %arg5[%mul3A_2, %dma_start3A_109] : memref<2048x128xi32, #tpu.memory_space<hbm>> -> memref<64x128xi32, #tpu.memory_space<hbm>>
      tpu.enqueue_dma source(%dma_start3A_110 : memref<64x128xi32, #tpu.memory_space<hbm>>) target(%arg11 : memref<64x128xi32, #tpu.memory_space<vmem>>) target_semaphore(%run_scoped3A_106 : memref<!tpu.dma_semaphore, #tpu.memory_space<semaphore_mem>>)
      %dma_wait3A_111 = arith.constant 0 : i32
      %dma_wait3A_112 = tpu.memref_slice %arg5[%mul3A_2, %dma_wait3A_111] : memref<2048x128xi32, #tpu.memory_space<hbm>> -> memref<64x128xi32, #tpu.memory_space<hbm>>
      %dma_wait3A_113 = arith.constant 0 : i32
      %dma_wait3A_114 = tpu.memref_slice %arg5[%mul3A_2, %dma_wait3A_113] : memref<2048x128xi32, #tpu.memory_space<hbm>> -> memref<64x128xi32, #tpu.memory_space<hbm>>
      tpu.wait_dma2 semaphore(%run_scoped3A_106 : memref<!tpu.dma_semaphore, #tpu.memory_space<semaphore_mem>>) src(%dma_wait3A_114 : memref<64x128xi32, #tpu.memory_space<hbm>>) dst(%arg11 : memref<64x128xi32, #tpu.memory_space<vmem>>)
      tpu.yield
    }) : () -> ()
    %dma_start3A = arith.constant 0 : i32
    %dma_start3A_3 = arith.constant 0 : i32
    %dma_start3A_4 = arith.constant 0 : i32
    %dma_start3A_5 = arith.constant 0 : i32
    %dma_start3A_6 = tpu.memref_slice %arg14[%dma_start3A_3, %dma_start3A_4, %dma_start3A_5] : memref<2x128x64xf32, #tpu.memory_space<vmem>> -> memref<1x128x64xf32, #tpu.memory_space<vmem>>
    %dma_start3A_7 = tpu.memref_squeeze %dma_start3A_6 : memref<1x128x64xf32, #tpu.memory_space<vmem>> -> memref<128x64xf32, #tpu.memory_space<vmem>>
    %dma_start3A_8 = arith.constant 0 : i32
    %dma_start3A_9 = tpu.memref_slice %arg11[%dma_start3A, %dma_start3A_8] : memref<64x128xi32, #tpu.memory_space<vmem>> -> memref<1x128xi32, #tpu.memory_space<vmem>>
    %dma_start3A_10 = tpu.memref_squeeze %dma_start3A_9 : memref<1x128xi32, #tpu.memory_space<vmem>> -> memref<128xi32, #tpu.memory_space<vmem>>
    %dma_start3A_11 = arith.constant 0 : i32
    %dma_start3A_12 = arith.constant 0 : i32
    %dma_start3A_13 = tpu.memref_slice %arg2[%dma_start3A_11, %dma_start3A_12] : memref<100000x64xf32, #tpu.memory_space<hbm>> -> memref<100000x64xf32, #tpu.memory_space<hbm>>
    tpu.enqueue_indirect_dma source(%dma_start3A_13 : memref<100000x64xf32, #tpu.memory_space<hbm>>) target(%dma_start3A_7 : memref<128x64xf32, #tpu.memory_space<vmem>>) offsets(%dma_start3A_10 : memref<128xi32, #tpu.memory_space<vmem>>) semaphore(%arg16 : memref<!tpu.dma_semaphore, #tpu.memory_space<semaphore_mem>>)
    %scan3A = arith.constant 0 : i32
    %scan3A_14 = arith.constant 0 : i32
    %scan3A_15 = arith.constant 32 : i32
    %scan3A_16 = arith.addi %scan3A_14, %scan3A_15 : i32
    %scan3A_17 = arith.constant 1 : i32
    %scan3A_18 = scf.for %scan3A_106 = %scan3A_14 to %scan3A_16 step %scan3A_17 iter_args(%scan3A_107 = %scan3A) -> (i32)  : i32 {
      %mul3A_108 = arith.constant 2 : i32
      %mul3A_109 = arith.muli %scan3A_106, %mul3A_108 : i32
      %add3A_110 = arith.constant 0 : i32
      %add3A_111 = arith.addi %mul3A_109, %add3A_110 : i32
      %dma_wait3A_112 = arith.constant 0 : i32
      %dma_wait3A_113 = arith.constant 0 : i32
      %dma_wait3A_114 = arith.constant 0 : i32
      %dma_wait3A_115 = tpu.memref_slice %arg14[%dma_wait3A_112, %dma_wait3A_113, %dma_wait3A_114] : memref<2x128x64xf32, #tpu.memory_space<vmem>> -> memref<1x128x64xf32, #tpu.memory_space<vmem>>
      %dma_wait3A_116 = tpu.memref_squeeze %dma_wait3A_115 : memref<1x128x64xf32, #tpu.memory_space<vmem>> -> memref<128x64xf32, #tpu.memory_space<vmem>>
      %dma_wait3A_117 = arith.constant 0 : i32
      %dma_wait3A_118 = tpu.memref_slice %arg11[%add3A_111, %dma_wait3A_117] : memref<64x128xi32, #tpu.memory_space<vmem>> -> memref<1x128xi32, #tpu.memory_space<vmem>>
      %dma_wait3A_119 = tpu.memref_squeeze %dma_wait3A_118 : memref<1x128xi32, #tpu.memory_space<vmem>> -> memref<128xi32, #tpu.memory_space<vmem>>
      %dma_wait3A_120 = arith.constant 0 : i32
      %dma_wait3A_121 = arith.constant 0 : i32
      %dma_wait3A_122 = tpu.memref_slice %arg2[%dma_wait3A_120, %dma_wait3A_121] : memref<100000x64xf32, #tpu.memory_space<hbm>> -> memref<100000x64xf32, #tpu.memory_space<hbm>>
      tpu.wait_indirect_dma semaphore(%arg16 : memref<!tpu.dma_semaphore, #tpu.memory_space<semaphore_mem>>) src(%dma_wait3A_122 : memref<100000x64xf32, #tpu.memory_space<hbm>>) dst(%dma_wait3A_116 : memref<128x64xf32, #tpu.memory_space<vmem>>)
      %add3A_123 = arith.constant 1 : i32
      %add3A_124 = arith.addi %add3A_111, %add3A_123 : i32
      %lt3A_125 = arith.constant 64 : i32
      %lt3A_126 = arith.cmpi slt, %add3A_124, %lt3A_125 : i32
      %convert_element_type3A_127 = arith.extui %lt3A_126 : i1 to i32
      %cond3A_128 = arith.constant 0 : i32
      %cond3A_129 = arith.cmpi ne, %convert_element_type3A_127, %cond3A_128 : i32
      scf.if %cond3A_129 {
        %add3A_161 = arith.constant 1 : i32
        %add3A_162 = arith.addi %add3A_111, %add3A_161 : i32
        %dma_start3A_163 = arith.constant 1 : i32
        %dma_start3A_164 = arith.constant 0 : i32
        %dma_start3A_165 = arith.constant 0 : i32
        %dma_start3A_166 = tpu.memref_slice %arg14[%dma_start3A_163, %dma_start3A_164, %dma_start3A_165] : memref<2x128x64xf32, #tpu.memory_space<vmem>> -> memref<1x128x64xf32, #tpu.memory_space<vmem>>
        %dma_start3A_167 = tpu.memref_squeeze %dma_start3A_166 : memref<1x128x64xf32, #tpu.memory_space<vmem>> -> memref<128x64xf32, #tpu.memory_space<vmem>>
        %dma_start3A_168 = arith.constant 0 : i32
        %dma_start3A_169 = tpu.memref_slice %arg11[%add3A_162, %dma_start3A_168] : memref<64x128xi32, #tpu.memory_space<vmem>> -> memref<1x128xi32, #tpu.memory_space<vmem>>
        %dma_start3A_170 = tpu.memref_squeeze %dma_start3A_169 : memref<1x128xi32, #tpu.memory_space<vmem>> -> memref<128xi32, #tpu.memory_space<vmem>>
        %dma_start3A_171 = arith.constant 0 : i32
        %dma_start3A_172 = arith.constant 0 : i32
        %dma_start3A_173 = tpu.memref_slice %arg2[%dma_start3A_171, %dma_start3A_172] : memref<100000x64xf32, #tpu.memory_space<hbm>> -> memref<100000x64xf32, #tpu.memory_space<hbm>>
        tpu.enqueue_indirect_dma source(%dma_start3A_173 : memref<100000x64xf32, #tpu.memory_space<hbm>>) target(%dma_start3A_167 : memref<128x64xf32, #tpu.memory_space<vmem>>) offsets(%dma_start3A_170 : memref<128xi32, #tpu.memory_space<vmem>>) semaphore(%arg17 : memref<!tpu.dma_semaphore, #tpu.memory_space<semaphore_mem>>)
      } else {
      }
      %mul3A_130 = arith.constant 64 : i32
      %mul3A_131 = arith.muli %add3A, %mul3A_130 : i32
      %add3A_132 = arith.addi %mul3A_131, %add3A_111 : i32
      %run_scoped3A_133 = arith.constant 0 : i32
      "tpu.region"() ({
        %run_scoped3A_161 = tpu.sem_alloc : memref<!tpu.dma_semaphore, #tpu.memory_space<semaphore_mem>>
        %dma_start3A_162 = arith.constant 0 : i32
        %dma_start3A_163 = arith.constant 0 : i32
        %dma_start3A_164 = tpu.memref_slice %arg14[%run_scoped3A_133, %dma_start3A_162, %dma_start3A_163] : memref<2x128x64xf32, #tpu.memory_space<vmem>> -> memref<1x128x64xf32, #tpu.memory_space<vmem>>
        %dma_start3A_165 = tpu.memref_squeeze %dma_start3A_164 : memref<1x128x64xf32, #tpu.memory_space<vmem>> -> memref<128x64xf32, #tpu.memory_space<vmem>>
        %dma_start3A_166 = arith.constant 0 : i32
        %dma_start3A_167 = arith.constant 0 : i32
        %dma_start3A_168 = tpu.memref_slice %arg8[%add3A_132, %dma_start3A_166, %dma_start3A_167] : memref<2048x128x64xf32, #tpu.memory_space<hbm>> -> memref<1x128x64xf32, #tpu.memory_space<hbm>>
        %dma_start3A_169 = tpu.memref_squeeze %dma_start3A_168 : memref<1x128x64xf32, #tpu.memory_space<hbm>> -> memref<128x64xf32, #tpu.memory_space<hbm>>
        %dma_start3A_170 = arith.constant 0 : i32
        %dma_start3A_171 = arith.constant 0 : i32
        %dma_start3A_172 = tpu.memref_slice %arg8[%add3A_132, %dma_start3A_170, %dma_start3A_171] : memref<2048x128x64xf32, #tpu.memory_space<hbm>> -> memref<1x128x64xf32, #tpu.memory_space<hbm>>
        %dma_start3A_173 = tpu.memref_squeeze %dma_start3A_172 : memref<1x128x64xf32, #tpu.memory_space<hbm>> -> memref<128x64xf32, #tpu.memory_space<hbm>>
        %dma_start3A_174 = arith.constant 0 : i32
        %dma_start3A_175 = arith.constant 0 : i32
        %dma_start3A_176 = tpu.memref_slice %arg14[%run_scoped3A_133, %dma_start3A_174, %dma_start3A_175] : memref<2x128x64xf32, #tpu.memory_space<vmem>> -> memref<1x128x64xf32, #tpu.memory_space<vmem>>
        %dma_start3A_177 = tpu.memref_squeeze %dma_start3A_176 : memref<1x128x64xf32, #tpu.memory_space<vmem>> -> memref<128x64xf32, #tpu.memory_space<vmem>>
        tpu.enqueue_dma source(%dma_start3A_177 : memref<128x64xf32, #tpu.memory_space<vmem>>) target(%dma_start3A_173 : memref<128x64xf32, #tpu.memory_space<hbm>>) target_semaphore(%run_scoped3A_161 : memref<!tpu.dma_semaphore, #tpu.memory_space<semaphore_mem>>)
        %dma_wait3A_178 = arith.constant 0 : i32
        %dma_wait3A_179 = arith.constant 0 : i32
        %dma_wait3A_180 = tpu.memref_slice %arg14[%run_scoped3A_133, %dma_wait3A_178, %dma_wait3A_179] : memref<2x128x64xf32, #tpu.memory_space<vmem>> -> memref<1x128x64xf32, #tpu.memory_space<vmem>>
        %dma_wait3A_181 = tpu.memref_squeeze %dma_wait3A_180 : memref<1x128x64xf32, #tpu.memory_space<vmem>> -> memref<128x64xf32, #tpu.memory_space<vmem>>
        %dma_wait3A_182 = arith.constant 0 : i32
        %dma_wait3A_183 = arith.constant 0 : i32
        %dma_wait3A_184 = tpu.memref_slice %arg8[%add3A_132, %dma_wait3A_182, %dma_wait3A_183] : memref<2048x128x64xf32, #tpu.memory_space<hbm>> -> memref<1x128x64xf32, #tpu.memory_space<hbm>>
        %dma_wait3A_185 = tpu.memref_squeeze %dma_wait3A_184 : memref<1x128x64xf32, #tpu.memory_space<hbm>> -> memref<128x64xf32, #tpu.memory_space<hbm>>
        %dma_wait3A_186 = arith.constant 0 : i32
        %dma_wait3A_187 = arith.constant 0 : i32
        %dma_wait3A_188 = tpu.memref_slice %arg8[%add3A_132, %dma_wait3A_186, %dma_wait3A_187] : memref<2048x128x64xf32, #tpu.memory_space<hbm>> -> memref<1x128x64xf32, #tpu.memory_space<hbm>>
        %dma_wait3A_189 = tpu.memref_squeeze %dma_wait3A_188 : memref<1x128x64xf32, #tpu.memory_space<hbm>> -> memref<128x64xf32, #tpu.memory_space<hbm>>
        %dma_wait3A_190 = arith.constant 0 : i32
        %dma_wait3A_191 = arith.constant 0 : i32
        %dma_wait3A_192 = tpu.memref_slice %arg14[%run_scoped3A_133, %dma_wait3A_190, %dma_wait3A_191] : memref<2x128x64xf32, #tpu.memory_space<vmem>> -> memref<1x128x64xf32, #tpu.memory_space<vmem>>
        %dma_wait3A_193 = tpu.memref_squeeze %dma_wait3A_192 : memref<1x128x64xf32, #tpu.memory_space<vmem>> -> memref<128x64xf32, #tpu.memory_space<vmem>>
        tpu.wait_dma2 semaphore(%run_scoped3A_161 : memref<!tpu.dma_semaphore, #tpu.memory_space<semaphore_mem>>) src(%dma_wait3A_193 : memref<128x64xf32, #tpu.memory_space<vmem>>) dst(%dma_wait3A_189 : memref<128x64xf32, #tpu.memory_space<hbm>>)
        tpu.yield
      }) : () -> ()
      %mul3A_134 = arith.constant 2 : i32
      %mul3A_135 = arith.muli %scan3A_106, %mul3A_134 : i32
      %add3A_136 = arith.constant 1 : i32
      %add3A_137 = arith.addi %mul3A_135, %add3A_136 : i32
      %dma_wait3A_138 = arith.constant 1 : i32
      %dma_wait3A_139 = arith.constant 0 : i32
      %dma_wait3A_140 = arith.constant 0 : i32
      %dma_wait3A_141 = tpu.memref_slice %arg14[%dma_wait3A_138, %dma_wait3A_139, %dma_wait3A_140] : memref<2x128x64xf32, #tpu.memory_space<vmem>> -> memref<1x128x64xf32, #tpu.memory_space<vmem>>
      %dma_wait3A_142 = tpu.memref_squeeze %dma_wait3A_141 : memref<1x128x64xf32, #tpu.memory_space<vmem>> -> memref<128x64xf32, #tpu.memory_space<vmem>>
      %dma_wait3A_143 = arith.constant 0 : i32
      %dma_wait3A_144 = tpu.memref_slice %arg11[%add3A_137, %dma_wait3A_143] : memref<64x128xi32, #tpu.memory_space<vmem>> -> memref<1x128xi32, #tpu.memory_space<vmem>>
      %dma_wait3A_145 = tpu.memref_squeeze %dma_wait3A_144 : memref<1x128xi32, #tpu.memory_space<vmem>> -> memref<128xi32, #tpu.memory_space<vmem>>
      %dma_wait3A_146 = arith.constant 0 : i32
      %dma_wait3A_147 = arith.constant 0 : i32
      %dma_wait3A_148 = tpu.memref_slice %arg2[%dma_wait3A_146, %dma_wait3A_147] : memref<100000x64xf32, #tpu.memory_space<hbm>> -> memref<100000x64xf32, #tpu.memory_space<hbm>>
      tpu.wait_indirect_dma semaphore(%arg17 : memref<!tpu.dma_semaphore, #tpu.memory_space<semaphore_mem>>) src(%dma_wait3A_148 : memref<100000x64xf32, #tpu.memory_space<hbm>>) dst(%dma_wait3A_142 : memref<128x64xf32, #tpu.memory_space<vmem>>)
      %add3A_149 = arith.constant 1 : i32
      %add3A_150 = arith.addi %add3A_137, %add3A_149 : i32
      %lt3A_151 = arith.constant 64 : i32
      %lt3A_152 = arith.cmpi slt, %add3A_150, %lt3A_151 : i32
      %convert_element_type3A_153 = arith.extui %lt3A_152 : i1 to i32
      %cond3A_154 = arith.constant 0 : i32
      %cond3A_155 = arith.cmpi ne, %convert_element_type3A_153, %cond3A_154 : i32
      scf.if %cond3A_155 {
        %add3A_161 = arith.constant 1 : i32
        %add3A_162 = arith.addi %add3A_137, %add3A_161 : i32
        %dma_start3A_163 = arith.constant 0 : i32
        %dma_start3A_164 = arith.constant 0 : i32
        %dma_start3A_165 = arith.constant 0 : i32
        %dma_start3A_166 = tpu.memref_slice %arg14[%dma_start3A_163, %dma_start3A_164, %dma_start3A_165] : memref<2x128x64xf32, #tpu.memory_space<vmem>> -> memref<1x128x64xf32, #tpu.memory_space<vmem>>
        %dma_start3A_167 = tpu.memref_squeeze %dma_start3A_166 : memref<1x128x64xf32, #tpu.memory_space<vmem>> -> memref<128x64xf32, #tpu.memory_space<vmem>>
        %dma_start3A_168 = arith.constant 0 : i32
        %dma_start3A_169 = tpu.memref_slice %arg11[%add3A_162, %dma_start3A_168] : memref<64x128xi32, #tpu.memory_space<vmem>> -> memref<1x128xi32, #tpu.memory_space<vmem>>
        %dma_start3A_170 = tpu.memref_squeeze %dma_start3A_169 : memref<1x128xi32, #tpu.memory_space<vmem>> -> memref<128xi32, #tpu.memory_space<vmem>>
        %dma_start3A_171 = arith.constant 0 : i32
        %dma_start3A_172 = arith.constant 0 : i32
        %dma_start3A_173 = tpu.memref_slice %arg2[%dma_start3A_171, %dma_start3A_172] : memref<100000x64xf32, #tpu.memory_space<hbm>> -> memref<100000x64xf32, #tpu.memory_space<hbm>>
        tpu.enqueue_indirect_dma source(%dma_start3A_173 : memref<100000x64xf32, #tpu.memory_space<hbm>>) target(%dma_start3A_167 : memref<128x64xf32, #tpu.memory_space<vmem>>) offsets(%dma_start3A_170 : memref<128xi32, #tpu.memory_space<vmem>>) semaphore(%arg16 : memref<!tpu.dma_semaphore, #tpu.memory_space<semaphore_mem>>)
      } else {
      }
      %mul3A_156 = arith.constant 64 : i32
      %mul3A_157 = arith.muli %add3A, %mul3A_156 : i32
      %add3A_158 = arith.addi %mul3A_157, %add3A_137 : i32
      %run_scoped3A_159 = arith.constant 1 : i32
      "tpu.region"() ({
        %run_scoped3A_161 = tpu.sem_alloc : memref<!tpu.dma_semaphore, #tpu.memory_space<semaphore_mem>>
        %dma_start3A_162 = arith.constant 0 : i32
        %dma_start3A_163 = arith.constant 0 : i32
        %dma_start3A_164 = tpu.memref_slice %arg14[%run_scoped3A_159, %dma_start3A_162, %dma_start3A_163] : memref<2x128x64xf32, #tpu.memory_space<vmem>> -> memref<1x128x64xf32, #tpu.memory_space<vmem>>
        %dma_start3A_165 = tpu.memref_squeeze %dma_start3A_164 : memref<1x128x64xf32, #tpu.memory_space<vmem>> -> memref<128x64xf32, #tpu.memory_space<vmem>>
        %dma_start3A_166 = arith.constant 0 : i32
        %dma_start3A_167 = arith.constant 0 : i32
        %dma_start3A_168 = tpu.memref_slice %arg8[%add3A_158, %dma_start3A_166, %dma_start3A_167] : memref<2048x128x64xf32, #tpu.memory_space<hbm>> -> memref<1x128x64xf32, #tpu.memory_space<hbm>>
        %dma_start3A_169 = tpu.memref_squeeze %dma_start3A_168 : memref<1x128x64xf32, #tpu.memory_space<hbm>> -> memref<128x64xf32, #tpu.memory_space<hbm>>
        %dma_start3A_170 = arith.constant 0 : i32
        %dma_start3A_171 = arith.constant 0 : i32
        %dma_start3A_172 = tpu.memref_slice %arg8[%add3A_158, %dma_start3A_170, %dma_start3A_171] : memref<2048x128x64xf32, #tpu.memory_space<hbm>> -> memref<1x128x64xf32, #tpu.memory_space<hbm>>
        %dma_start3A_173 = tpu.memref_squeeze %dma_start3A_172 : memref<1x128x64xf32, #tpu.memory_space<hbm>> -> memref<128x64xf32, #tpu.memory_space<hbm>>
        %dma_start3A_174 = arith.constant 0 : i32
        %dma_start3A_175 = arith.constant 0 : i32
        %dma_start3A_176 = tpu.memref_slice %arg14[%run_scoped3A_159, %dma_start3A_174, %dma_start3A_175] : memref<2x128x64xf32, #tpu.memory_space<vmem>> -> memref<1x128x64xf32, #tpu.memory_space<vmem>>
        %dma_start3A_177 = tpu.memref_squeeze %dma_start3A_176 : memref<1x128x64xf32, #tpu.memory_space<vmem>> -> memref<128x64xf32, #tpu.memory_space<vmem>>
        tpu.enqueue_dma source(%dma_start3A_177 : memref<128x64xf32, #tpu.memory_space<vmem>>) target(%dma_start3A_173 : memref<128x64xf32, #tpu.memory_space<hbm>>) target_semaphore(%run_scoped3A_161 : memref<!tpu.dma_semaphore, #tpu.memory_space<semaphore_mem>>)
        %dma_wait3A_178 = arith.constant 0 : i32
        %dma_wait3A_179 = arith.constant 0 : i32
        %dma_wait3A_180 = tpu.memref_slice %arg14[%run_scoped3A_159, %dma_wait3A_178, %dma_wait3A_179] : memref<2x128x64xf32, #tpu.memory_space<vmem>> -> memref<1x128x64xf32, #tpu.memory_space<vmem>>
        %dma_wait3A_181 = tpu.memref_squeeze %dma_wait3A_180 : memref<1x128x64xf32, #tpu.memory_space<vmem>> -> memref<128x64xf32, #tpu.memory_space<vmem>>
        %dma_wait3A_182 = arith.constant 0 : i32
        %dma_wait3A_183 = arith.constant 0 : i32
        %dma_wait3A_184 = tpu.memref_slice %arg8[%add3A_158, %dma_wait3A_182, %dma_wait3A_183] : memref<2048x128x64xf32, #tpu.memory_space<hbm>> -> memref<1x128x64xf32, #tpu.memory_space<hbm>>
        %dma_wait3A_185 = tpu.memref_squeeze %dma_wait3A_184 : memref<1x128x64xf32, #tpu.memory_space<hbm>> -> memref<128x64xf32, #tpu.memory_space<hbm>>
        %dma_wait3A_186 = arith.constant 0 : i32
        %dma_wait3A_187 = arith.constant 0 : i32
        %dma_wait3A_188 = tpu.memref_slice %arg8[%add3A_158, %dma_wait3A_186, %dma_wait3A_187] : memref<2048x128x64xf32, #tpu.memory_space<hbm>> -> memref<1x128x64xf32, #tpu.memory_space<hbm>>
        %dma_wait3A_189 = tpu.memref_squeeze %dma_wait3A_188 : memref<1x128x64xf32, #tpu.memory_space<hbm>> -> memref<128x64xf32, #tpu.memory_space<hbm>>
        %dma_wait3A_190 = arith.constant 0 : i32
        %dma_wait3A_191 = arith.constant 0 : i32
        %dma_wait3A_192 = tpu.memref_slice %arg14[%run_scoped3A_159, %dma_wait3A_190, %dma_wait3A_191] : memref<2x128x64xf32, #tpu.memory_space<vmem>> -> memref<1x128x64xf32, #tpu.memory_space<vmem>>
        %dma_wait3A_193 = tpu.memref_squeeze %dma_wait3A_192 : memref<1x128x64xf32, #tpu.memory_space<vmem>> -> memref<128x64xf32, #tpu.memory_space<vmem>>
        tpu.wait_dma2 semaphore(%run_scoped3A_161 : memref<!tpu.dma_semaphore, #tpu.memory_space<semaphore_mem>>) src(%dma_wait3A_193 : memref<128x64xf32, #tpu.memory_space<vmem>>) dst(%dma_wait3A_189 : memref<128x64xf32, #tpu.memory_space<hbm>>)
        tpu.yield
      }) : () -> ()
      %scan3A_160 = arith.constant 0 : i32
      scf.yield %scan3A_160 : i32
    }
    %scan3A_19 = arith.constant 32 : i32
    %mul3A_20 = arith.constant 32 : i32
    %mul3A_21 = arith.muli %add3A, %mul3A_20 : i32
    "tpu.region"() ({
      %run_scoped3A_106 = tpu.sem_alloc : memref<!tpu.dma_semaphore, #tpu.memory_space<semaphore_mem>>
      %dma_start3A_107 = arith.constant 0 : i32
      %dma_start3A_108 = tpu.memref_slice %arg6[%mul3A_21, %dma_start3A_107] : memref<1024x128xi32, #tpu.memory_space<hbm>> -> memref<32x128xi32, #tpu.memory_space<hbm>>
      %dma_start3A_109 = arith.constant 0 : i32
      %dma_start3A_110 = tpu.memref_slice %arg6[%mul3A_21, %dma_start3A_109] : memref<1024x128xi32, #tpu.memory_space<hbm>> -> memref<32x128xi32, #tpu.memory_space<hbm>>
      tpu.enqueue_dma source(%dma_start3A_110 : memref<32x128xi32, #tpu.memory_space<hbm>>) target(%arg12 : memref<32x128xi32, #tpu.memory_space<vmem>>) target_semaphore(%run_scoped3A_106 : memref<!tpu.dma_semaphore, #tpu.memory_space<semaphore_mem>>)
      %dma_wait3A_111 = arith.constant 0 : i32
      %dma_wait3A_112 = tpu.memref_slice %arg6[%mul3A_21, %dma_wait3A_111] : memref<1024x128xi32, #tpu.memory_space<hbm>> -> memref<32x128xi32, #tpu.memory_space<hbm>>
      %dma_wait3A_113 = arith.constant 0 : i32
      %dma_wait3A_114 = tpu.memref_slice %arg6[%mul3A_21, %dma_wait3A_113] : memref<1024x128xi32, #tpu.memory_space<hbm>> -> memref<32x128xi32, #tpu.memory_space<hbm>>
      tpu.wait_dma2 semaphore(%run_scoped3A_106 : memref<!tpu.dma_semaphore, #tpu.memory_space<semaphore_mem>>) src(%dma_wait3A_114 : memref<32x128xi32, #tpu.memory_space<hbm>>) dst(%arg12 : memref<32x128xi32, #tpu.memory_space<vmem>>)
      tpu.yield
    }) : () -> ()
    %dma_start3A_22 = arith.constant 0 : i32
    %dma_start3A_23 = arith.constant 0 : i32
    %dma_start3A_24 = arith.constant 0 : i32
    %dma_start3A_25 = arith.constant 0 : i32
    %dma_start3A_26 = tpu.memref_slice %arg14[%dma_start3A_23, %dma_start3A_24, %dma_start3A_25] : memref<2x128x64xf32, #tpu.memory_space<vmem>> -> memref<1x128x64xf32, #tpu.memory_space<vmem>>
    %dma_start3A_27 = tpu.memref_squeeze %dma_start3A_26 : memref<1x128x64xf32, #tpu.memory_space<vmem>> -> memref<128x64xf32, #tpu.memory_space<vmem>>
    %dma_start3A_28 = arith.constant 0 : i32
    %dma_start3A_29 = tpu.memref_slice %arg12[%dma_start3A_22, %dma_start3A_28] : memref<32x128xi32, #tpu.memory_space<vmem>> -> memref<1x128xi32, #tpu.memory_space<vmem>>
    %dma_start3A_30 = tpu.memref_squeeze %dma_start3A_29 : memref<1x128xi32, #tpu.memory_space<vmem>> -> memref<128xi32, #tpu.memory_space<vmem>>
    %dma_start3A_31 = arith.constant 0 : i32
    %dma_start3A_32 = arith.constant 0 : i32
    %dma_start3A_33 = tpu.memref_slice %arg3[%dma_start3A_31, %dma_start3A_32] : memref<1000x64xf32, #tpu.memory_space<hbm>> -> memref<1000x64xf32, #tpu.memory_space<hbm>>
    tpu.enqueue_indirect_dma source(%dma_start3A_33 : memref<1000x64xf32, #tpu.memory_space<hbm>>) target(%dma_start3A_27 : memref<128x64xf32, #tpu.memory_space<vmem>>) offsets(%dma_start3A_30 : memref<128xi32, #tpu.memory_space<vmem>>) semaphore(%arg16 : memref<!tpu.dma_semaphore, #tpu.memory_space<semaphore_mem>>)
    %scan3A_34 = arith.constant 0 : i32
    %scan3A_35 = arith.constant 0 : i32
    %scan3A_36 = arith.constant 16 : i32
    %scan3A_37 = arith.addi %scan3A_35, %scan3A_36 : i32
    %scan3A_38 = arith.constant 1 : i32
    %scan3A_39 = scf.for %scan3A_106 = %scan3A_35 to %scan3A_37 step %scan3A_38 iter_args(%scan3A_107 = %scan3A_34) -> (i32)  : i32 {
      %mul3A_108 = arith.constant 2 : i32
      %mul3A_109 = arith.muli %scan3A_106, %mul3A_108 : i32
      %add3A_110 = arith.constant 0 : i32
      %add3A_111 = arith.addi %mul3A_109, %add3A_110 : i32
      %dma_wait3A_112 = arith.constant 0 : i32
      %dma_wait3A_113 = arith.constant 0 : i32
      %dma_wait3A_114 = arith.constant 0 : i32
      %dma_wait3A_115 = tpu.memref_slice %arg14[%dma_wait3A_112, %dma_wait3A_113, %dma_wait3A_114] : memref<2x128x64xf32, #tpu.memory_space<vmem>> -> memref<1x128x64xf32, #tpu.memory_space<vmem>>
      %dma_wait3A_116 = tpu.memref_squeeze %dma_wait3A_115 : memref<1x128x64xf32, #tpu.memory_space<vmem>> -> memref<128x64xf32, #tpu.memory_space<vmem>>
      %dma_wait3A_117 = arith.constant 0 : i32
      %dma_wait3A_118 = tpu.memref_slice %arg12[%add3A_111, %dma_wait3A_117] : memref<32x128xi32, #tpu.memory_space<vmem>> -> memref<1x128xi32, #tpu.memory_space<vmem>>
      %dma_wait3A_119 = tpu.memref_squeeze %dma_wait3A_118 : memref<1x128xi32, #tpu.memory_space<vmem>> -> memref<128xi32, #tpu.memory_space<vmem>>
      %dma_wait3A_120 = arith.constant 0 : i32
      %dma_wait3A_121 = arith.constant 0 : i32
      %dma_wait3A_122 = tpu.memref_slice %arg3[%dma_wait3A_120, %dma_wait3A_121] : memref<1000x64xf32, #tpu.memory_space<hbm>> -> memref<1000x64xf32, #tpu.memory_space<hbm>>
      tpu.wait_indirect_dma semaphore(%arg16 : memref<!tpu.dma_semaphore, #tpu.memory_space<semaphore_mem>>) src(%dma_wait3A_122 : memref<1000x64xf32, #tpu.memory_space<hbm>>) dst(%dma_wait3A_116 : memref<128x64xf32, #tpu.memory_space<vmem>>)
      %add3A_123 = arith.constant 1 : i32
      %add3A_124 = arith.addi %add3A_111, %add3A_123 : i32
      %lt3A_125 = arith.constant 32 : i32
      %lt3A_126 = arith.cmpi slt, %add3A_124, %lt3A_125 : i32
      %convert_element_type3A_127 = arith.extui %lt3A_126 : i1 to i32
      %cond3A_128 = arith.constant 0 : i32
      %cond3A_129 = arith.cmpi ne, %convert_element_type3A_127, %cond3A_128 : i32
      scf.if %cond3A_129 {
        %add3A_161 = arith.constant 1 : i32
        %add3A_162 = arith.addi %add3A_111, %add3A_161 : i32
        %dma_start3A_163 = arith.constant 1 : i32
        %dma_start3A_164 = arith.constant 0 : i32
        %dma_start3A_165 = arith.constant 0 : i32
        %dma_start3A_166 = tpu.memref_slice %arg14[%dma_start3A_163, %dma_start3A_164, %dma_start3A_165] : memref<2x128x64xf32, #tpu.memory_space<vmem>> -> memref<1x128x64xf32, #tpu.memory_space<vmem>>
        %dma_start3A_167 = tpu.memref_squeeze %dma_start3A_166 : memref<1x128x64xf32, #tpu.memory_space<vmem>> -> memref<128x64xf32, #tpu.memory_space<vmem>>
        %dma_start3A_168 = arith.constant 0 : i32
        %dma_start3A_169 = tpu.memref_slice %arg12[%add3A_162, %dma_start3A_168] : memref<32x128xi32, #tpu.memory_space<vmem>> -> memref<1x128xi32, #tpu.memory_space<vmem>>
        %dma_start3A_170 = tpu.memref_squeeze %dma_start3A_169 : memref<1x128xi32, #tpu.memory_space<vmem>> -> memref<128xi32, #tpu.memory_space<vmem>>
        %dma_start3A_171 = arith.constant 0 : i32
        %dma_start3A_172 = arith.constant 0 : i32
        %dma_start3A_173 = tpu.memref_slice %arg3[%dma_start3A_171, %dma_start3A_172] : memref<1000x64xf32, #tpu.memory_space<hbm>> -> memref<1000x64xf32, #tpu.memory_space<hbm>>
        tpu.enqueue_indirect_dma source(%dma_start3A_173 : memref<1000x64xf32, #tpu.memory_space<hbm>>) target(%dma_start3A_167 : memref<128x64xf32, #tpu.memory_space<vmem>>) offsets(%dma_start3A_170 : memref<128xi32, #tpu.memory_space<vmem>>) semaphore(%arg17 : memref<!tpu.dma_semaphore, #tpu.memory_space<semaphore_mem>>)
      } else {
      }
      %mul3A_130 = arith.constant 32 : i32
      %mul3A_131 = arith.muli %add3A, %mul3A_130 : i32
      %add3A_132 = arith.addi %mul3A_131, %add3A_111 : i32
      %run_scoped3A_133 = arith.constant 0 : i32
      "tpu.region"() ({
        %run_scoped3A_161 = tpu.sem_alloc : memref<!tpu.dma_semaphore, #tpu.memory_space<semaphore_mem>>
        %dma_start3A_162 = arith.constant 0 : i32
        %dma_start3A_163 = arith.constant 0 : i32
        %dma_start3A_164 = tpu.memref_slice %arg14[%run_scoped3A_133, %dma_start3A_162, %dma_start3A_163] : memref<2x128x64xf32, #tpu.memory_space<vmem>> -> memref<1x128x64xf32, #tpu.memory_space<vmem>>
        %dma_start3A_165 = tpu.memref_squeeze %dma_start3A_164 : memref<1x128x64xf32, #tpu.memory_space<vmem>> -> memref<128x64xf32, #tpu.memory_space<vmem>>
        %dma_start3A_166 = arith.constant 0 : i32
        %dma_start3A_167 = arith.constant 0 : i32
        %dma_start3A_168 = tpu.memref_slice %arg9[%add3A_132, %dma_start3A_166, %dma_start3A_167] : memref<1024x128x64xf32, #tpu.memory_space<hbm>> -> memref<1x128x64xf32, #tpu.memory_space<hbm>>
        %dma_start3A_169 = tpu.memref_squeeze %dma_start3A_168 : memref<1x128x64xf32, #tpu.memory_space<hbm>> -> memref<128x64xf32, #tpu.memory_space<hbm>>
        %dma_start3A_170 = arith.constant 0 : i32
        %dma_start3A_171 = arith.constant 0 : i32
        %dma_start3A_172 = tpu.memref_slice %arg9[%add3A_132, %dma_start3A_170, %dma_start3A_171] : memref<1024x128x64xf32, #tpu.memory_space<hbm>> -> memref<1x128x64xf32, #tpu.memory_space<hbm>>
        %dma_start3A_173 = tpu.memref_squeeze %dma_start3A_172 : memref<1x128x64xf32, #tpu.memory_space<hbm>> -> memref<128x64xf32, #tpu.memory_space<hbm>>
        %dma_start3A_174 = arith.constant 0 : i32
        %dma_start3A_175 = arith.constant 0 : i32
        %dma_start3A_176 = tpu.memref_slice %arg14[%run_scoped3A_133, %dma_start3A_174, %dma_start3A_175] : memref<2x128x64xf32, #tpu.memory_space<vmem>> -> memref<1x128x64xf32, #tpu.memory_space<vmem>>
        %dma_start3A_177 = tpu.memref_squeeze %dma_start3A_176 : memref<1x128x64xf32, #tpu.memory_space<vmem>> -> memref<128x64xf32, #tpu.memory_space<vmem>>
        tpu.enqueue_dma source(%dma_start3A_177 : memref<128x64xf32, #tpu.memory_space<vmem>>) target(%dma_start3A_173 : memref<128x64xf32, #tpu.memory_space<hbm>>) target_semaphore(%run_scoped3A_161 : memref<!tpu.dma_semaphore, #tpu.memory_space<semaphore_mem>>)
        %dma_wait3A_178 = arith.constant 0 : i32
        %dma_wait3A_179 = arith.constant 0 : i32
        %dma_wait3A_180 = tpu.memref_slice %arg14[%run_scoped3A_133, %dma_wait3A_178, %dma_wait3A_179] : memref<2x128x64xf32, #tpu.memory_space<vmem>> -> memref<1x128x64xf32, #tpu.memory_space<vmem>>
        %dma_wait3A_181 = tpu.memref_squeeze %dma_wait3A_180 : memref<1x128x64xf32, #tpu.memory_space<vmem>> -> memref<128x64xf32, #tpu.memory_space<vmem>>
        %dma_wait3A_182 = arith.constant 0 : i32
        %dma_wait3A_183 = arith.constant 0 : i32
        %dma_wait3A_184 = tpu.memref_slice %arg9[%add3A_132, %dma_wait3A_182, %dma_wait3A_183] : memref<1024x128x64xf32, #tpu.memory_space<hbm>> -> memref<1x128x64xf32, #tpu.memory_space<hbm>>
        %dma_wait3A_185 = tpu.memref_squeeze %dma_wait3A_184 : memref<1x128x64xf32, #tpu.memory_space<hbm>> -> memref<128x64xf32, #tpu.memory_space<hbm>>
        %dma_wait3A_186 = arith.constant 0 : i32
        %dma_wait3A_187 = arith.constant 0 : i32
        %dma_wait3A_188 = tpu.memref_slice %arg9[%add3A_132, %dma_wait3A_186, %dma_wait3A_187] : memref<1024x128x64xf32, #tpu.memory_space<hbm>> -> memref<1x128x64xf32, #tpu.memory_space<hbm>>
        %dma_wait3A_189 = tpu.memref_squeeze %dma_wait3A_188 : memref<1x128x64xf32, #tpu.memory_space<hbm>> -> memref<128x64xf32, #tpu.memory_space<hbm>>
        %dma_wait3A_190 = arith.constant 0 : i32
        %dma_wait3A_191 = arith.constant 0 : i32
        %dma_wait3A_192 = tpu.memref_slice %arg14[%run_scoped3A_133, %dma_wait3A_190, %dma_wait3A_191] : memref<2x128x64xf32, #tpu.memory_space<vmem>> -> memref<1x128x64xf32, #tpu.memory_space<vmem>>
        %dma_wait3A_193 = tpu.memref_squeeze %dma_wait3A_192 : memref<1x128x64xf32, #tpu.memory_space<vmem>> -> memref<128x64xf32, #tpu.memory_space<vmem>>
        tpu.wait_dma2 semaphore(%run_scoped3A_161 : memref<!tpu.dma_semaphore, #tpu.memory_space<semaphore_mem>>) src(%dma_wait3A_193 : memref<128x64xf32, #tpu.memory_space<vmem>>) dst(%dma_wait3A_189 : memref<128x64xf32, #tpu.memory_space<hbm>>)
        tpu.yield
      }) : () -> ()
      %mul3A_134 = arith.constant 2 : i32
      %mul3A_135 = arith.muli %scan3A_106, %mul3A_134 : i32
      %add3A_136 = arith.constant 1 : i32
      %add3A_137 = arith.addi %mul3A_135, %add3A_136 : i32
      %dma_wait3A_138 = arith.constant 1 : i32
      %dma_wait3A_139 = arith.constant 0 : i32
      %dma_wait3A_140 = arith.constant 0 : i32
      %dma_wait3A_141 = tpu.memref_slice %arg14[%dma_wait3A_138, %dma_wait3A_139, %dma_wait3A_140] : memref<2x128x64xf32, #tpu.memory_space<vmem>> -> memref<1x128x64xf32, #tpu.memory_space<vmem>>
      %dma_wait3A_142 = tpu.memref_squeeze %dma_wait3A_141 : memref<1x128x64xf32, #tpu.memory_space<vmem>> -> memref<128x64xf32, #tpu.memory_space<vmem>>
      %dma_wait3A_143 = arith.constant 0 : i32
      %dma_wait3A_144 = tpu.memref_slice %arg12[%add3A_137, %dma_wait3A_143] : memref<32x128xi32, #tpu.memory_space<vmem>> -> memref<1x128xi32, #tpu.memory_space<vmem>>
      %dma_wait3A_145 = tpu.memref_squeeze %dma_wait3A_144 : memref<1x128xi32, #tpu.memory_space<vmem>> -> memref<128xi32, #tpu.memory_space<vmem>>
      %dma_wait3A_146 = arith.constant 0 : i32
      %dma_wait3A_147 = arith.constant 0 : i32
      %dma_wait3A_148 = tpu.memref_slice %arg3[%dma_wait3A_146, %dma_wait3A_147] : memref<1000x64xf32, #tpu.memory_space<hbm>> -> memref<1000x64xf32, #tpu.memory_space<hbm>>
      tpu.wait_indirect_dma semaphore(%arg17 : memref<!tpu.dma_semaphore, #tpu.memory_space<semaphore_mem>>) src(%dma_wait3A_148 : memref<1000x64xf32, #tpu.memory_space<hbm>>) dst(%dma_wait3A_142 : memref<128x64xf32, #tpu.memory_space<vmem>>)
      %add3A_149 = arith.constant 1 : i32
      %add3A_150 = arith.addi %add3A_137, %add3A_149 : i32
      %lt3A_151 = arith.constant 32 : i32
      %lt3A_152 = arith.cmpi slt, %add3A_150, %lt3A_151 : i32
      %convert_element_type3A_153 = arith.extui %lt3A_152 : i1 to i32
      %cond3A_154 = arith.constant 0 : i32
      %cond3A_155 = arith.cmpi ne, %convert_element_type3A_153, %cond3A_154 : i32
      scf.if %cond3A_155 {
        %add3A_161 = arith.constant 1 : i32
        %add3A_162 = arith.addi %add3A_137, %add3A_161 : i32
        %dma_start3A_163 = arith.constant 0 : i32
        %dma_start3A_164 = arith.constant 0 : i32
        %dma_start3A_165 = arith.constant 0 : i32
        %dma_start3A_166 = tpu.memref_slice %arg14[%dma_start3A_163, %dma_start3A_164, %dma_start3A_165] : memref<2x128x64xf32, #tpu.memory_space<vmem>> -> memref<1x128x64xf32, #tpu.memory_space<vmem>>
        %dma_start3A_167 = tpu.memref_squeeze %dma_start3A_166 : memref<1x128x64xf32, #tpu.memory_space<vmem>> -> memref<128x64xf32, #tpu.memory_space<vmem>>
        %dma_start3A_168 = arith.constant 0 : i32
        %dma_start3A_169 = tpu.memref_slice %arg12[%add3A_162, %dma_start3A_168] : memref<32x128xi32, #tpu.memory_space<vmem>> -> memref<1x128xi32, #tpu.memory_space<vmem>>
        %dma_start3A_170 = tpu.memref_squeeze %dma_start3A_169 : memref<1x128xi32, #tpu.memory_space<vmem>> -> memref<128xi32, #tpu.memory_space<vmem>>
        %dma_start3A_171 = arith.constant 0 : i32
        %dma_start3A_172 = arith.constant 0 : i32
        %dma_start3A_173 = tpu.memref_slice %arg3[%dma_start3A_171, %dma_start3A_172] : memref<1000x64xf32, #tpu.memory_space<hbm>> -> memref<1000x64xf32, #tpu.memory_space<hbm>>
        tpu.enqueue_indirect_dma source(%dma_start3A_173 : memref<1000x64xf32, #tpu.memory_space<hbm>>) target(%dma_start3A_167 : memref<128x64xf32, #tpu.memory_space<vmem>>) offsets(%dma_start3A_170 : memref<128xi32, #tpu.memory_space<vmem>>) semaphore(%arg16 : memref<!tpu.dma_semaphore, #tpu.memory_space<semaphore_mem>>)
      } else {
      }
      %mul3A_156 = arith.constant 32 : i32
      %mul3A_157 = arith.muli %add3A, %mul3A_156 : i32
      %add3A_158 = arith.addi %mul3A_157, %add3A_137 : i32
      %run_scoped3A_159 = arith.constant 1 : i32
      "tpu.region"() ({
        %run_scoped3A_161 = tpu.sem_alloc : memref<!tpu.dma_semaphore, #tpu.memory_space<semaphore_mem>>
        %dma_start3A_162 = arith.constant 0 : i32
        %dma_start3A_163 = arith.constant 0 : i32
        %dma_start3A_164 = tpu.memref_slice %arg14[%run_scoped3A_159, %dma_start3A_162, %dma_start3A_163] : memref<2x128x64xf32, #tpu.memory_space<vmem>> -> memref<1x128x64xf32, #tpu.memory_space<vmem>>
        %dma_start3A_165 = tpu.memref_squeeze %dma_start3A_164 : memref<1x128x64xf32, #tpu.memory_space<vmem>> -> memref<128x64xf32, #tpu.memory_space<vmem>>
        %dma_start3A_166 = arith.constant 0 : i32
        %dma_start3A_167 = arith.constant 0 : i32
        %dma_start3A_168 = tpu.memref_slice %arg9[%add3A_158, %dma_start3A_166, %dma_start3A_167] : memref<1024x128x64xf32, #tpu.memory_space<hbm>> -> memref<1x128x64xf32, #tpu.memory_space<hbm>>
        %dma_start3A_169 = tpu.memref_squeeze %dma_start3A_168 : memref<1x128x64xf32, #tpu.memory_space<hbm>> -> memref<128x64xf32, #tpu.memory_space<hbm>>
        %dma_start3A_170 = arith.constant 0 : i32
        %dma_start3A_171 = arith.constant 0 : i32
        %dma_start3A_172 = tpu.memref_slice %arg9[%add3A_158, %dma_start3A_170, %dma_start3A_171] : memref<1024x128x64xf32, #tpu.memory_space<hbm>> -> memref<1x128x64xf32, #tpu.memory_space<hbm>>
        %dma_start3A_173 = tpu.memref_squeeze %dma_start3A_172 : memref<1x128x64xf32, #tpu.memory_space<hbm>> -> memref<128x64xf32, #tpu.memory_space<hbm>>
        %dma_start3A_174 = arith.constant 0 : i32
        %dma_start3A_175 = arith.constant 0 : i32
        %dma_start3A_176 = tpu.memref_slice %arg14[%run_scoped3A_159, %dma_start3A_174, %dma_start3A_175] : memref<2x128x64xf32, #tpu.memory_space<vmem>> -> memref<1x128x64xf32, #tpu.memory_space<vmem>>
        %dma_start3A_177 = tpu.memref_squeeze %dma_start3A_176 : memref<1x128x64xf32, #tpu.memory_space<vmem>> -> memref<128x64xf32, #tpu.memory_space<vmem>>
        tpu.enqueue_dma source(%dma_start3A_177 : memref<128x64xf32, #tpu.memory_space<vmem>>) target(%dma_start3A_173 : memref<128x64xf32, #tpu.memory_space<hbm>>) target_semaphore(%run_scoped3A_161 : memref<!tpu.dma_semaphore, #tpu.memory_space<semaphore_mem>>)
        %dma_wait3A_178 = arith.constant 0 : i32
        %dma_wait3A_179 = arith.constant 0 : i32
        %dma_wait3A_180 = tpu.memref_slice %arg14[%run_scoped3A_159, %dma_wait3A_178, %dma_wait3A_179] : memref<2x128x64xf32, #tpu.memory_space<vmem>> -> memref<1x128x64xf32, #tpu.memory_space<vmem>>
        %dma_wait3A_181 = tpu.memref_squeeze %dma_wait3A_180 : memref<1x128x64xf32, #tpu.memory_space<vmem>> -> memref<128x64xf32, #tpu.memory_space<vmem>>
        %dma_wait3A_182 = arith.constant 0 : i32
        %dma_wait3A_183 = arith.constant 0 : i32
        %dma_wait3A_184 = tpu.memref_slice %arg9[%add3A_158, %dma_wait3A_182, %dma_wait3A_183] : memref<1024x128x64xf32, #tpu.memory_space<hbm>> -> memref<1x128x64xf32, #tpu.memory_space<hbm>>
        %dma_wait3A_185 = tpu.memref_squeeze %dma_wait3A_184 : memref<1x128x64xf32, #tpu.memory_space<hbm>> -> memref<128x64xf32, #tpu.memory_space<hbm>>
        %dma_wait3A_186 = arith.constant 0 : i32
        %dma_wait3A_187 = arith.constant 0 : i32
        %dma_wait3A_188 = tpu.memref_slice %arg9[%add3A_158, %dma_wait3A_186, %dma_wait3A_187] : memref<1024x128x64xf32, #tpu.memory_space<hbm>> -> memref<1x128x64xf32, #tpu.memory_space<hbm>>
        %dma_wait3A_189 = tpu.memref_squeeze %dma_wait3A_188 : memref<1x128x64xf32, #tpu.memory_space<hbm>> -> memref<128x64xf32, #tpu.memory_space<hbm>>
        %dma_wait3A_190 = arith.constant 0 : i32
        %dma_wait3A_191 = arith.constant 0 : i32
        %dma_wait3A_192 = tpu.memref_slice %arg14[%run_scoped3A_159, %dma_wait3A_190, %dma_wait3A_191] : memref<2x128x64xf32, #tpu.memory_space<vmem>> -> memref<1x128x64xf32, #tpu.memory_space<vmem>>
        %dma_wait3A_193 = tpu.memref_squeeze %dma_wait3A_192 : memref<1x128x64xf32, #tpu.memory_space<vmem>> -> memref<128x64xf32, #tpu.memory_space<vmem>>
        tpu.wait_dma2 semaphore(%run_scoped3A_161 : memref<!tpu.dma_semaphore, #tpu.memory_space<semaphore_mem>>) src(%dma_wait3A_193 : memref<128x64xf32, #tpu.memory_space<vmem>>) dst(%dma_wait3A_189 : memref<128x64xf32, #tpu.memory_space<hbm>>)
        tpu.yield
      }) : () -> ()
      %scan3A_160 = arith.constant 0 : i32
      scf.yield %scan3A_160 : i32
    }
    %scan3A_40 = arith.constant 16 : i32
    %mul3A_41 = arith.constant 2 : i32
    %mul3A_42 = arith.muli %add3A, %mul3A_41 : i32
    "tpu.region"() ({
      %run_scoped3A_106 = tpu.sem_alloc : memref<!tpu.dma_semaphore, #tpu.memory_space<semaphore_mem>>
      %dma_start3A_107 = arith.constant 0 : i32
      %dma_start3A_108 = tpu.memref_slice %arg7[%mul3A_42, %dma_start3A_107] : memref<64x128xi32, #tpu.memory_space<hbm>> -> memref<2x128xi32, #tpu.memory_space<hbm>>
      %dma_start3A_109 = arith.constant 0 : i32
      %dma_start3A_110 = tpu.memref_slice %arg7[%mul3A_42, %dma_start3A_109] : memref<64x128xi32, #tpu.memory_space<hbm>> -> memref<2x128xi32, #tpu.memory_space<hbm>>
      tpu.enqueue_dma source(%dma_start3A_110 : memref<2x128xi32, #tpu.memory_space<hbm>>) target(%arg13 : memref<2x128xi32, #tpu.memory_space<vmem>>) target_semaphore(%run_scoped3A_106 : memref<!tpu.dma_semaphore, #tpu.memory_space<semaphore_mem>>)
      %dma_wait3A_111 = arith.constant 0 : i32
      %dma_wait3A_112 = tpu.memref_slice %arg7[%mul3A_42, %dma_wait3A_111] : memref<64x128xi32, #tpu.memory_space<hbm>> -> memref<2x128xi32, #tpu.memory_space<hbm>>
      %dma_wait3A_113 = arith.constant 0 : i32
      %dma_wait3A_114 = tpu.memref_slice %arg7[%mul3A_42, %dma_wait3A_113] : memref<64x128xi32, #tpu.memory_space<hbm>> -> memref<2x128xi32, #tpu.memory_space<hbm>>
      tpu.wait_dma2 semaphore(%run_scoped3A_106 : memref<!tpu.dma_semaphore, #tpu.memory_space<semaphore_mem>>) src(%dma_wait3A_114 : memref<2x128xi32, #tpu.memory_space<hbm>>) dst(%arg13 : memref<2x128xi32, #tpu.memory_space<vmem>>)
      tpu.yield
    }) : () -> ()
    %dma_start3A_43 = arith.constant 0 : i32
    %dma_start3A_44 = arith.constant 0 : i32
    %dma_start3A_45 = arith.constant 0 : i32
    %dma_start3A_46 = arith.constant 0 : i32
    %dma_start3A_47 = tpu.memref_slice %arg15[%dma_start3A_44, %dma_start3A_45, %dma_start3A_46] : memref<2x128x128xf32, #tpu.memory_space<vmem>> -> memref<1x128x128xf32, #tpu.memory_space<vmem>>
    %dma_start3A_48 = tpu.memref_squeeze %dma_start3A_47 : memref<1x128x128xf32, #tpu.memory_space<vmem>> -> memref<128x128xf32, #tpu.memory_space<vmem>>
    %dma_start3A_49 = arith.constant 0 : i32
    %dma_start3A_50 = tpu.memref_slice %arg13[%dma_start3A_43, %dma_start3A_49] : memref<2x128xi32, #tpu.memory_space<vmem>> -> memref<1x128xi32, #tpu.memory_space<vmem>>
    %dma_start3A_51 = tpu.memref_squeeze %dma_start3A_50 : memref<1x128xi32, #tpu.memory_space<vmem>> -> memref<128xi32, #tpu.memory_space<vmem>>
    %dma_start3A_52 = arith.constant 0 : i32
    %dma_start3A_53 = arith.constant 0 : i32
    %dma_start3A_54 = tpu.memref_slice %arg4[%dma_start3A_52, %dma_start3A_53] : memref<100000x128xf32, #tpu.memory_space<hbm>> -> memref<100000x128xf32, #tpu.memory_space<hbm>>
    tpu.enqueue_indirect_dma source(%dma_start3A_54 : memref<100000x128xf32, #tpu.memory_space<hbm>>) target(%dma_start3A_48 : memref<128x128xf32, #tpu.memory_space<vmem>>) offsets(%dma_start3A_51 : memref<128xi32, #tpu.memory_space<vmem>>) semaphore(%arg16 : memref<!tpu.dma_semaphore, #tpu.memory_space<semaphore_mem>>)
    %scan3A_55 = arith.constant 0 : i32
    %scan3A_56 = arith.constant 0 : i32
    %mul3A_57 = arith.constant 2 : i32
    %mul3A_58 = arith.muli %scan3A_56, %mul3A_57 : i32
    %add3A_59 = arith.constant 0 : i32
    %add3A_60 = arith.addi %mul3A_58, %add3A_59 : i32
    %dma_wait3A = arith.constant 0 : i32
    %dma_wait3A_61 = arith.constant 0 : i32
    %dma_wait3A_62 = arith.constant 0 : i32
    %dma_wait3A_63 = tpu.memref_slice %arg15[%dma_wait3A, %dma_wait3A_61, %dma_wait3A_62] : memref<2x128x128xf32, #tpu.memory_space<vmem>> -> memref<1x128x128xf32, #tpu.memory_space<vmem>>
    %dma_wait3A_64 = tpu.memref_squeeze %dma_wait3A_63 : memref<1x128x128xf32, #tpu.memory_space<vmem>> -> memref<128x128xf32, #tpu.memory_space<vmem>>
    %dma_wait3A_65 = arith.constant 0 : i32
    %dma_wait3A_66 = tpu.memref_slice %arg13[%add3A_60, %dma_wait3A_65] : memref<2x128xi32, #tpu.memory_space<vmem>> -> memref<1x128xi32, #tpu.memory_space<vmem>>
    %dma_wait3A_67 = tpu.memref_squeeze %dma_wait3A_66 : memref<1x128xi32, #tpu.memory_space<vmem>> -> memref<128xi32, #tpu.memory_space<vmem>>
    %dma_wait3A_68 = arith.constant 0 : i32
    %dma_wait3A_69 = arith.constant 0 : i32
    %dma_wait3A_70 = tpu.memref_slice %arg4[%dma_wait3A_68, %dma_wait3A_69] : memref<100000x128xf32, #tpu.memory_space<hbm>> -> memref<100000x128xf32, #tpu.memory_space<hbm>>
    tpu.wait_indirect_dma semaphore(%arg16 : memref<!tpu.dma_semaphore, #tpu.memory_space<semaphore_mem>>) src(%dma_wait3A_70 : memref<100000x128xf32, #tpu.memory_space<hbm>>) dst(%dma_wait3A_64 : memref<128x128xf32, #tpu.memory_space<vmem>>)
    %add3A_71 = arith.constant 1 : i32
    %add3A_72 = arith.addi %add3A_60, %add3A_71 : i32
    %lt3A = arith.constant 2 : i32
    %lt3A_73 = arith.cmpi slt, %add3A_72, %lt3A : i32
    %convert_element_type3A = arith.extui %lt3A_73 : i1 to i32
    %cond3A = arith.constant 0 : i32
    %cond3A_74 = arith.cmpi ne, %convert_element_type3A, %cond3A : i32
    scf.if %cond3A_74 {
      %add3A_106 = arith.constant 1 : i32
      %add3A_107 = arith.addi %add3A_60, %add3A_106 : i32
      %dma_start3A_108 = arith.constant 1 : i32
      %dma_start3A_109 = arith.constant 0 : i32
      %dma_start3A_110 = arith.constant 0 : i32
      %dma_start3A_111 = tpu.memref_slice %arg15[%dma_start3A_108, %dma_start3A_109, %dma_start3A_110] : memref<2x128x128xf32, #tpu.memory_space<vmem>> -> memref<1x128x128xf32, #tpu.memory_space<vmem>>
      %dma_start3A_112 = tpu.memref_squeeze %dma_start3A_111 : memref<1x128x128xf32, #tpu.memory_space<vmem>> -> memref<128x128xf32, #tpu.memory_space<vmem>>
      %dma_start3A_113 = arith.constant 0 : i32
      %dma_start3A_114 = tpu.memref_slice %arg13[%add3A_107, %dma_start3A_113] : memref<2x128xi32, #tpu.memory_space<vmem>> -> memref<1x128xi32, #tpu.memory_space<vmem>>
      %dma_start3A_115 = tpu.memref_squeeze %dma_start3A_114 : memref<1x128xi32, #tpu.memory_space<vmem>> -> memref<128xi32, #tpu.memory_space<vmem>>
      %dma_start3A_116 = arith.constant 0 : i32
      %dma_start3A_117 = arith.constant 0 : i32
      %dma_start3A_118 = tpu.memref_slice %arg4[%dma_start3A_116, %dma_start3A_117] : memref<100000x128xf32, #tpu.memory_space<hbm>> -> memref<100000x128xf32, #tpu.memory_space<hbm>>
      tpu.enqueue_indirect_dma source(%dma_start3A_118 : memref<100000x128xf32, #tpu.memory_space<hbm>>) target(%dma_start3A_112 : memref<128x128xf32, #tpu.memory_space<vmem>>) offsets(%dma_start3A_115 : memref<128xi32, #tpu.memory_space<vmem>>) semaphore(%arg17 : memref<!tpu.dma_semaphore, #tpu.memory_space<semaphore_mem>>)
    } else {
    }
    %mul3A_75 = arith.constant 2 : i32
    %mul3A_76 = arith.muli %add3A, %mul3A_75 : i32
    %add3A_77 = arith.addi %mul3A_76, %add3A_60 : i32
    %run_scoped3A = arith.constant 0 : i32
    "tpu.region"() ({
      %run_scoped3A_106 = tpu.sem_alloc : memref<!tpu.dma_semaphore, #tpu.memory_space<semaphore_mem>>
      %dma_start3A_107 = arith.constant 0 : i32
      %dma_start3A_108 = arith.constant 0 : i32
      %dma_start3A_109 = tpu.memref_slice %arg15[%run_scoped3A, %dma_start3A_107, %dma_start3A_108] : memref<2x128x128xf32, #tpu.memory_space<vmem>> -> memref<1x128x128xf32, #tpu.memory_space<vmem>>
      %dma_start3A_110 = tpu.memref_squeeze %dma_start3A_109 : memref<1x128x128xf32, #tpu.memory_space<vmem>> -> memref<128x128xf32, #tpu.memory_space<vmem>>
      %dma_start3A_111 = arith.constant 0 : i32
      %dma_start3A_112 = arith.constant 0 : i32
      %dma_start3A_113 = tpu.memref_slice %arg10[%add3A_77, %dma_start3A_111, %dma_start3A_112] : memref<64x128x128xf32, #tpu.memory_space<hbm>> -> memref<1x128x128xf32, #tpu.memory_space<hbm>>
      %dma_start3A_114 = tpu.memref_squeeze %dma_start3A_113 : memref<1x128x128xf32, #tpu.memory_space<hbm>> -> memref<128x128xf32, #tpu.memory_space<hbm>>
      %dma_start3A_115 = arith.constant 0 : i32
      %dma_start3A_116 = arith.constant 0 : i32
      %dma_start3A_117 = tpu.memref_slice %arg10[%add3A_77, %dma_start3A_115, %dma_start3A_116] : memref<64x128x128xf32, #tpu.memory_space<hbm>> -> memref<1x128x128xf32, #tpu.memory_space<hbm>>
      %dma_start3A_118 = tpu.memref_squeeze %dma_start3A_117 : memref<1x128x128xf32, #tpu.memory_space<hbm>> -> memref<128x128xf32, #tpu.memory_space<hbm>>
      %dma_start3A_119 = arith.constant 0 : i32
      %dma_start3A_120 = arith.constant 0 : i32
      %dma_start3A_121 = tpu.memref_slice %arg15[%run_scoped3A, %dma_start3A_119, %dma_start3A_120] : memref<2x128x128xf32, #tpu.memory_space<vmem>> -> memref<1x128x128xf32, #tpu.memory_space<vmem>>
      %dma_start3A_122 = tpu.memref_squeeze %dma_start3A_121 : memref<1x128x128xf32, #tpu.memory_space<vmem>> -> memref<128x128xf32, #tpu.memory_space<vmem>>
      tpu.enqueue_dma source(%dma_start3A_122 : memref<128x128xf32, #tpu.memory_space<vmem>>) target(%dma_start3A_118 : memref<128x128xf32, #tpu.memory_space<hbm>>) target_semaphore(%run_scoped3A_106 : memref<!tpu.dma_semaphore, #tpu.memory_space<semaphore_mem>>)
      %dma_wait3A_123 = arith.constant 0 : i32
      %dma_wait3A_124 = arith.constant 0 : i32
      %dma_wait3A_125 = tpu.memref_slice %arg15[%run_scoped3A, %dma_wait3A_123, %dma_wait3A_124] : memref<2x128x128xf32, #tpu.memory_space<vmem>> -> memref<1x128x128xf32, #tpu.memory_space<vmem>>
      %dma_wait3A_126 = tpu.memref_squeeze %dma_wait3A_125 : memref<1x128x128xf32, #tpu.memory_space<vmem>> -> memref<128x128xf32, #tpu.memory_space<vmem>>
      %dma_wait3A_127 = arith.constant 0 : i32
      %dma_wait3A_128 = arith.constant 0 : i32
      %dma_wait3A_129 = tpu.memref_slice %arg10[%add3A_77, %dma_wait3A_127, %dma_wait3A_128] : memref<64x128x128xf32, #tpu.memory_space<hbm>> -> memref<1x128x128xf32, #tpu.memory_space<hbm>>
      %dma_wait3A_130 = tpu.memref_squeeze %dma_wait3A_129 : memref<1x128x128xf32, #tpu.memory_space<hbm>> -> memref<128x128xf32, #tpu.memory_space<hbm>>
      %dma_wait3A_131 = arith.constant 0 : i32
      %dma_wait3A_132 = arith.constant 0 : i32
      %dma_wait3A_133 = tpu.memref_slice %arg10[%add3A_77, %dma_wait3A_131, %dma_wait3A_132] : memref<64x128x128xf32, #tpu.memory_space<hbm>> -> memref<1x128x128xf32, #tpu.memory_space<hbm>>
      %dma_wait3A_134 = tpu.memref_squeeze %dma_wait3A_133 : memref<1x128x128xf32, #tpu.memory_space<hbm>> -> memref<128x128xf32, #tpu.memory_space<hbm>>
      %dma_wait3A_135 = arith.constant 0 : i32
      %dma_wait3A_136 = arith.constant 0 : i32
      %dma_wait3A_137 = tpu.memref_slice %arg15[%run_scoped3A, %dma_wait3A_135, %dma_wait3A_136] : memref<2x128x128xf32, #tpu.memory_space<vmem>> -> memref<1x128x128xf32, #tpu.memory_space<vmem>>
      %dma_wait3A_138 = tpu.memref_squeeze %dma_wait3A_137 : memref<1x128x128xf32, #tpu.memory_space<vmem>> -> memref<128x128xf32, #tpu.memory_space<vmem>>
      tpu.wait_dma2 semaphore(%run_scoped3A_106 : memref<!tpu.dma_semaphore, #tpu.memory_space<semaphore_mem>>) src(%dma_wait3A_138 : memref<128x128xf32, #tpu.memory_space<vmem>>) dst(%dma_wait3A_134 : memref<128x128xf32, #tpu.memory_space<hbm>>)
      tpu.yield
    }) : () -> ()
    %mul3A_78 = arith.constant 2 : i32
    %mul3A_79 = arith.muli %scan3A_56, %mul3A_78 : i32
    %add3A_80 = arith.constant 1 : i32
    %add3A_81 = arith.addi %mul3A_79, %add3A_80 : i32
    %dma_wait3A_82 = arith.constant 1 : i32
    %dma_wait3A_83 = arith.constant 0 : i32
    %dma_wait3A_84 = arith.constant 0 : i32
    %dma_wait3A_85 = tpu.memref_slice %arg15[%dma_wait3A_82, %dma_wait3A_83, %dma_wait3A_84] : memref<2x128x128xf32, #tpu.memory_space<vmem>> -> memref<1x128x128xf32, #tpu.memory_space<vmem>>
    %dma_wait3A_86 = tpu.memref_squeeze %dma_wait3A_85 : memref<1x128x128xf32, #tpu.memory_space<vmem>> -> memref<128x128xf32, #tpu.memory_space<vmem>>
    %dma_wait3A_87 = arith.constant 0 : i32
    %dma_wait3A_88 = tpu.memref_slice %arg13[%add3A_81, %dma_wait3A_87] : memref<2x128xi32, #tpu.memory_space<vmem>> -> memref<1x128xi32, #tpu.memory_space<vmem>>
    %dma_wait3A_89 = tpu.memref_squeeze %dma_wait3A_88 : memref<1x128xi32, #tpu.memory_space<vmem>> -> memref<128xi32, #tpu.memory_space<vmem>>
    %dma_wait3A_90 = arith.constant 0 : i32
    %dma_wait3A_91 = arith.constant 0 : i32
    %dma_wait3A_92 = tpu.memref_slice %arg4[%dma_wait3A_90, %dma_wait3A_91] : memref<100000x128xf32, #tpu.memory_space<hbm>> -> memref<100000x128xf32, #tpu.memory_space<hbm>>
    tpu.wait_indirect_dma semaphore(%arg17 : memref<!tpu.dma_semaphore, #tpu.memory_space<semaphore_mem>>) src(%dma_wait3A_92 : memref<100000x128xf32, #tpu.memory_space<hbm>>) dst(%dma_wait3A_86 : memref<128x128xf32, #tpu.memory_space<vmem>>)
    %add3A_93 = arith.constant 1 : i32
    %add3A_94 = arith.addi %add3A_81, %add3A_93 : i32
    %lt3A_95 = arith.constant 2 : i32
    %lt3A_96 = arith.cmpi slt, %add3A_94, %lt3A_95 : i32
    %convert_element_type3A_97 = arith.extui %lt3A_96 : i1 to i32
    %cond3A_98 = arith.constant 0 : i32
    %cond3A_99 = arith.cmpi ne, %convert_element_type3A_97, %cond3A_98 : i32
    scf.if %cond3A_99 {
      %add3A_106 = arith.constant 1 : i32
      %add3A_107 = arith.addi %add3A_81, %add3A_106 : i32
      %dma_start3A_108 = arith.constant 0 : i32
      %dma_start3A_109 = arith.constant 0 : i32
      %dma_start3A_110 = arith.constant 0 : i32
      %dma_start3A_111 = tpu.memref_slice %arg15[%dma_start3A_108, %dma_start3A_109, %dma_start3A_110] : memref<2x128x128xf32, #tpu.memory_space<vmem>> -> memref<1x128x128xf32, #tpu.memory_space<vmem>>
      %dma_start3A_112 = tpu.memref_squeeze %dma_start3A_111 : memref<1x128x128xf32, #tpu.memory_space<vmem>> -> memref<128x128xf32, #tpu.memory_space<vmem>>
      %dma_start3A_113 = arith.constant 0 : i32
      %dma_start3A_114 = tpu.memref_slice %arg13[%add3A_107, %dma_start3A_113] : memref<2x128xi32, #tpu.memory_space<vmem>> -> memref<1x128xi32, #tpu.memory_space<vmem>>
      %dma_start3A_115 = tpu.memref_squeeze %dma_start3A_114 : memref<1x128xi32, #tpu.memory_space<vmem>> -> memref<128xi32, #tpu.memory_space<vmem>>
      %dma_start3A_116 = arith.constant 0 : i32
      %dma_start3A_117 = arith.constant 0 : i32
      %dma_start3A_118 = tpu.memref_slice %arg4[%dma_start3A_116, %dma_start3A_117] : memref<100000x128xf32, #tpu.memory_space<hbm>> -> memref<100000x128xf32, #tpu.memory_space<hbm>>
      tpu.enqueue_indirect_dma source(%dma_start3A_118 : memref<100000x128xf32, #tpu.memory_space<hbm>>) target(%dma_start3A_112 : memref<128x128xf32, #tpu.memory_space<vmem>>) offsets(%dma_start3A_115 : memref<128xi32, #tpu.memory_space<vmem>>) semaphore(%arg16 : memref<!tpu.dma_semaphore, #tpu.memory_space<semaphore_mem>>)
    } else {
    }
    %mul3A_100 = arith.constant 2 : i32
    %mul3A_101 = arith.muli %add3A, %mul3A_100 : i32
    %add3A_102 = arith.addi %mul3A_101, %add3A_81 : i32
    %run_scoped3A_103 = arith.constant 1 : i32
    "tpu.region"() ({
      %run_scoped3A_106 = tpu.sem_alloc : memref<!tpu.dma_semaphore, #tpu.memory_space<semaphore_mem>>
      %dma_start3A_107 = arith.constant 0 : i32
      %dma_start3A_108 = arith.constant 0 : i32
      %dma_start3A_109 = tpu.memref_slice %arg15[%run_scoped3A_103, %dma_start3A_107, %dma_start3A_108] : memref<2x128x128xf32, #tpu.memory_space<vmem>> -> memref<1x128x128xf32, #tpu.memory_space<vmem>>
      %dma_start3A_110 = tpu.memref_squeeze %dma_start3A_109 : memref<1x128x128xf32, #tpu.memory_space<vmem>> -> memref<128x128xf32, #tpu.memory_space<vmem>>
      %dma_start3A_111 = arith.constant 0 : i32
      %dma_start3A_112 = arith.constant 0 : i32
      %dma_start3A_113 = tpu.memref_slice %arg10[%add3A_102, %dma_start3A_111, %dma_start3A_112] : memref<64x128x128xf32, #tpu.memory_space<hbm>> -> memref<1x128x128xf32, #tpu.memory_space<hbm>>
      %dma_start3A_114 = tpu.memref_squeeze %dma_start3A_113 : memref<1x128x128xf32, #tpu.memory_space<hbm>> -> memref<128x128xf32, #tpu.memory_space<hbm>>
      %dma_start3A_115 = arith.constant 0 : i32
      %dma_start3A_116 = arith.constant 0 : i32
      %dma_start3A_117 = tpu.memref_slice %arg10[%add3A_102, %dma_start3A_115, %dma_start3A_116] : memref<64x128x128xf32, #tpu.memory_space<hbm>> -> memref<1x128x128xf32, #tpu.memory_space<hbm>>
      %dma_start3A_118 = tpu.memref_squeeze %dma_start3A_117 : memref<1x128x128xf32, #tpu.memory_space<hbm>> -> memref<128x128xf32, #tpu.memory_space<hbm>>
      %dma_start3A_119 = arith.constant 0 : i32
      %dma_start3A_120 = arith.constant 0 : i32
      %dma_start3A_121 = tpu.memref_slice %arg15[%run_scoped3A_103, %dma_start3A_119, %dma_start3A_120] : memref<2x128x128xf32, #tpu.memory_space<vmem>> -> memref<1x128x128xf32, #tpu.memory_space<vmem>>
      %dma_start3A_122 = tpu.memref_squeeze %dma_start3A_121 : memref<1x128x128xf32, #tpu.memory_space<vmem>> -> memref<128x128xf32, #tpu.memory_space<vmem>>
      tpu.enqueue_dma source(%dma_start3A_122 : memref<128x128xf32, #tpu.memory_space<vmem>>) target(%dma_start3A_118 : memref<128x128xf32, #tpu.memory_space<hbm>>) target_semaphore(%run_scoped3A_106 : memref<!tpu.dma_semaphore, #tpu.memory_space<semaphore_mem>>)
      %dma_wait3A_123 = arith.constant 0 : i32
      %dma_wait3A_124 = arith.constant 0 : i32
      %dma_wait3A_125 = tpu.memref_slice %arg15[%run_scoped3A_103, %dma_wait3A_123, %dma_wait3A_124] : memref<2x128x128xf32, #tpu.memory_space<vmem>> -> memref<1x128x128xf32, #tpu.memory_space<vmem>>
      %dma_wait3A_126 = tpu.memref_squeeze %dma_wait3A_125 : memref<1x128x128xf32, #tpu.memory_space<vmem>> -> memref<128x128xf32, #tpu.memory_space<vmem>>
      %dma_wait3A_127 = arith.constant 0 : i32
      %dma_wait3A_128 = arith.constant 0 : i32
      %dma_wait3A_129 = tpu.memref_slice %arg10[%add3A_102, %dma_wait3A_127, %dma_wait3A_128] : memref<64x128x128xf32, #tpu.memory_space<hbm>> -> memref<1x128x128xf32, #tpu.memory_space<hbm>>
      %dma_wait3A_130 = tpu.memref_squeeze %dma_wait3A_129 : memref<1x128x128xf32, #tpu.memory_space<hbm>> -> memref<128x128xf32, #tpu.memory_space<hbm>>
      %dma_wait3A_131 = arith.constant 0 : i32
      %dma_wait3A_132 = arith.constant 0 : i32
      %dma_wait3A_133 = tpu.memref_slice %arg10[%add3A_102, %dma_wait3A_131, %dma_wait3A_132] : memref<64x128x128xf32, #tpu.memory_space<hbm>> -> memref<1x128x128xf32, #tpu.memory_space<hbm>>
      %dma_wait3A_134 = tpu.memref_squeeze %dma_wait3A_133 : memref<1x128x128xf32, #tpu.memory_space<hbm>> -> memref<128x128xf32, #tpu.memory_space<hbm>>
      %dma_wait3A_135 = arith.constant 0 : i32
      %dma_wait3A_136 = arith.constant 0 : i32
      %dma_wait3A_137 = tpu.memref_slice %arg15[%run_scoped3A_103, %dma_wait3A_135, %dma_wait3A_136] : memref<2x128x128xf32, #tpu.memory_space<vmem>> -> memref<1x128x128xf32, #tpu.memory_space<vmem>>
      %dma_wait3A_138 = tpu.memref_squeeze %dma_wait3A_137 : memref<1x128x128xf32, #tpu.memory_space<vmem>> -> memref<128x128xf32, #tpu.memory_space<vmem>>
      tpu.wait_dma2 semaphore(%run_scoped3A_106 : memref<!tpu.dma_semaphore, #tpu.memory_space<semaphore_mem>>) src(%dma_wait3A_138 : memref<128x128xf32, #tpu.memory_space<vmem>>) dst(%dma_wait3A_134 : memref<128x128xf32, #tpu.memory_space<hbm>>)
      tpu.yield
    }) : () -> ()
    %scan3A_104 = arith.constant 0 : i32
    %scan3A_105 = arith.constant 1 : i32
    return
  }
}

module attributes {stable_mosaic.version = 14 : i64} {
  func.func @_tanh_body(%arg0: memref<1000x64xf32, #tpu.memory_space<vmem>>, %arg1: memref<1000x64xf32, #tpu.memory_space<vmem>>) attributes {dimension_semantics = [], scalar_prefetch = 0 : i64, scratch_operands = 0 : i64, tpu.core_type = #tpu.core_type<tc>} {
    %get3A = arith.constant 0 : index
    %get3A_0 = arith.constant 0 : index
    %get3A_1 = vector.load %arg0[%get3A, %get3A_0] : memref<1000x64xf32, #tpu.memory_space<vmem>>, vector<1000x64xf32>
    %tanh3A = math.tanh %get3A_1 : vector<1000x64xf32>
    %swap3A = arith.constant 0 : index
    %swap3A_2 = arith.constant 0 : index
    %swap3A_3 = vector.load %arg1[%swap3A, %swap3A_2] : memref<1000x64xf32, #tpu.memory_space<vmem>>, vector<1000x64xf32>
    tpu.vector_store %arg1[%swap3A, %swap3A_2], %tanh3A {strides = array<i32>} : memref<1000x64xf32, #tpu.memory_space<vmem>>, vector<1000x64xf32>,
    return
  }
}

</mosaic_0001>

<sc_bundles>
// kernel: kernel.4.cloned.1.call-start
scs
__scs_entry_jumppad:
0x0: {  	(pc) =	sbr.rel $0x88, $3  }
0x1: {  	(tag) =	ssettag $0x0;
	lr =	simm.s32 $0x1  }
0x2: {  	[smem:$0x3F9C] =	sst lr;
	_ =	strace $0xD0000000  }
0x3: {  	_ = 	snop  }
0x4: {  	_ = 	snop  }
0x5: {  	_ = 	snop  }
0x6: {  	_ = 	snop  }
0x7: {  	_ = 	snop  }
__scs_overlays_trampoline_lowered:
0x8: {  	[smem:$0x3FAB] =	sst s0  }
0x9: {  	[smem:$0x3FAC] =	sst s1  }
0xa: {  	[smem:$0x3FAD] =	sst s2  }
0xb: {  	[smem:$0x3FAE] =	sst s3  }
0xc: {  	[smem:$0x3FAF] =	sst s4  }
0xd: {  	[smem:$0x3FB0] =	sst s5  }
0xe: {  	[smem:$0x3FB1] =	sst s6  }
0xf: {  	[smem:$0x3FB2] =	sst s7  }
0x10: {  	[smem:$0x3FB3] =	sst s8  }
0x11: {  	[smem:$0x3FB4] =	sst s9;
	s0 =	simm.s32 @!p0 $0x0  }
0x12: {  	s1 =	sld [smem:$0x3F9A];
	s0 =	simm.s32 @p0 $0x1  }
0x13: {  	[smem:$0x3FB5] =	sst s0;
	s0 =	simm.s32 @!p1 $0x0  }
0x14: {  	s2 =	sld [smem:$0x3F99];
	s0 =	simm.s32 @p1 $0x1  }
0x15: {  	[smem:$0x3FB6] =	sst s0;
	s0 =	simm.s32 @!p2 $0x0  }
0x16: {  	s3 =	sld [smem:$0x3FDB];
	s0 =	simm.s32 @p2 $0x1  }
0x17: {  	s4 =	simm.s32 $0x1BF5;
	[smem:$0x3FB8] =	sst s0  }
0x18: {  	s0 =	sld [smem:$0x3F9B];
	_ =	swait.ge [sflag:s4], $0x0  }
0x19: {  	s7 =	sld [smem:$0x3F9C]  }
0x1a: {  	s8 =	sadd.s32 $0xFFFFE003, lr  }
0x1b: {  	s9 =	sadd.s32 $0xFFFFFEF7, lr;
	s5 =	simm.s32 $0xFFFFFFFF;
	p2 =	slt.u32 s8, $0xFFFFF086  }
0x1c: {  	p1 =	slt.u32 s9, $0xF7A;
	s5 =	simm.s32 @!p2 $0x0  }
0x1d: {  	s5 =	simm.s32 @p1 $0x1;
	p0 =	seq.s32 s7, s2  }
0x1e: {  	s7 =	smul.u32 @!p0 $0xF7A, s2;
	p2 =	seq.s32 @!p0 s5, $0x0  }
0x1f: {  	s9 =	smul.u32 $0xF7A, s1;
	s8 =	simm.s32 @!p0 $0x1BF5;
	p2 =	por !p2, p0  }
0x20: {  	[sflag:s8] =	ssyncset.s32 @!p0 $0xFFFFF086;
	s6 =	sadd.s32 @!p0 s3, s7;
	s7 =	simm.s32 @!p0 $0x108  }
0x21: {  	s3 =	sadd.s32 s3, s9;
	s6 =	sadd.s32 @!p0 $0x88, s6;
	s7 =	simm.s32 @p2 $0x1082  }
0x22: {  	[simem:s7], [sflag:s8] =	dma.local @!p0 [hbm:s6], $0xF7A  }
0x23: {  	s9 =	sor.u32 $0xD0000000, s2;
	s6 =	simm.s32 $0x108;
	_ =	swait.ge @!p0 [sflag:s8], $0x0  }
0x24: {  	s3 =	sadd.s32 $0x88, s3;
	s6 =	simm.s32 @!p1 $0x1082;
	[sflag:s4] =	ssyncset.s32 $0xFFFFF086  }
0x25: {  	[simem:s6], [sflag:s4] =	dma.local [hbm:s3], $0xF7A  }
0x26: {  	[smem:$0x3F9C] =	sst s1;
	(tag) =	ssettag s2;
	_ =	strace s9  }
0x27: {  	s1 =	sld [smem:$0x3FAC]  }
0x28: {  	s2 =	sld [smem:$0x3FAD]  }
0x29: {  	s4 =	sld [smem:$0x3FAF]  }
0x2a: {  	p0 =	seq.s32 s5, $0x0;
	s5 =	sld [smem:$0x3FB0]  }
0x2b: {  	s6 =	sld [smem:$0x3FB1]  }
0x2c: {  	s7 =	sld [smem:$0x3FB2]  }
0x2d: {  	s3 =	simm.s32 $0x108;
	s8 =	sld [smem:$0x3FB3]  }
0x2e: {  	s3 =	simm.s32 @!p0 $0x1082;
	s9 =	sld [smem:$0x3FB4]  }
0x2f: {  	lr =	sadd.s32 s0, s3;
	s0 =	sld [smem:$0x3FAB]  }
0x30: {  	s3 =	sld [smem:$0x3FAE]  }
0x31: {  	[smem:$0x3FB7] =	sst s10  }
0x32: {  	s10 =	sld [smem:$0x3FB5];
	_ =	sdelay $0x3  }
0x33: {  	p0 =	seq.s32 s10, $0x1;
	s10 =	sld [smem:$0x3FB7];
	_ =	sdelay $0x3  }
0x34: {  	[smem:$0x3FB7] =	sst s10  }
0x35: {  	s10 =	sld [smem:$0x3FB6];
	_ =	sdelay $0x3  }
0x36: {  	p1 =	seq.s32 s10, $0x1;
	s10 =	sld [smem:$0x3FB7];
	_ =	sdelay $0x3  }
0x37: {  	[smem:$0x3FB7] =	sst s10  }
0x38: {  	s10 =	sld [smem:$0x3FB8]  }
0x39: {  	_ = 	snop;
	(pc) =	sbr.ind lr, $3  }
0x3a: {  	_ = 	snop  }
0x3b: {  	_ = 	snop  }
0x3c: {  	p2 =	seq.s32 s10, $0x1;
	s10 =	sld [smem:$0x3FB7]  }
0x3d: {  	_ =	shalt  }
0x3e: {  	_ =	shalt  }
0x3f: {  	_ =	shalt  }
0x40: {  	_ =	shalt  }
0x41: {  	_ =	shalt  }
0x42: {  	_ =	shalt  }
0x43: {  	_ =	shalt  }
0x44: {  	_ =	shalt  }
0x45: {  	_ =	shalt  }
0x46: {  	_ =	shalt  }
0x47: {  	_ =	shalt  }
0x48: {  	_ =	shalt  }
0x49: {  	_ =	shalt  }
0x4a: {  	_ =	shalt  }
0x4b: {  	_ =	shalt  }
0x4c: {  	_ =	shalt  }
0x4d: {  	_ =	shalt  }
0x4e: {  	_ =	shalt  }
0x4f: {  	_ =	shalt  }
0x50: {  	_ =	shalt  }
0x51: {  	_ =	shalt  }
0x52: {  	_ =	shalt  }
0x53: {  	_ =	shalt  }
0x54: {  	_ =	shalt  }
0x55: {  	_ =	shalt  }
0x56: {  	_ =	shalt  }
0x57: {  	_ =	shalt  }
0x58: {  	_ =	shalt  }
0x59: {  	_ =	shalt  }
0x5a: {  	_ =	shalt  }
0x5b: {  	_ =	shalt  }
0x5c: {  	_ =	shalt  }
0x5d: {  	_ =	shalt  }
0x5e: {  	_ =	shalt  }
0x5f: {  	_ =	shalt  }
0x60: {  	_ =	shalt  }
0x61: {  	_ =	shalt  }
0x62: {  	_ =	shalt  }
0x63: {  	_ =	shalt  }
0x64: {  	_ =	shalt  }
0x65: {  	_ =	shalt  }
0x66: {  	_ =	shalt  }
0x67: {  	_ =	shalt  }
0x68: {  	_ =	shalt  }
0x69: {  	_ =	shalt  }
0x6a: {  	_ =	shalt  }
0x6b: {  	_ =	shalt  }
0x6c: {  	_ =	shalt  }
0x6d: {  	_ =	shalt  }
0x6e: {  	_ =	shalt  }
0x6f: {  	_ =	shalt  }
0x70: {  	_ =	shalt  }
0x71: {  	_ =	shalt  }
0x72: {  	_ =	shalt  }
0x73: {  	_ =	shalt  }
0x74: {  	_ =	shalt  }
0x75: {  	_ =	shalt  }
0x76: {  	_ =	shalt  }
0x77: {  	_ =	shalt  }
0x78: {  	_ =	shalt  }
0x79: {  	_ =	shalt  }
0x7a: {  	_ =	shalt  }
0x7b: {  	_ =	shalt  }
0x7c: {  	_ =	shalt  }
0x7d: {  	_ =	shalt  }
0x7e: {  	_ =	shalt  }
0x7f: {  	_ =	shalt  }
0x80: {  	_ =	shalt  }
0x81: {  	_ =	shalt  }
0x82: {  	_ =	shalt  }
0x83: {  	_ =	shalt  }
0x84: {  	_ =	shalt  }
0x85: {  	_ =	shalt  }
0x86: {  	_ =	shalt  }
0x87: {  	_ =	shalt  }
.Lfunc_end0:
.L_simem_size_0:
called_computation_lowered:
.L_overlay_start_0:
0x88: {  	s2 =	sld [smem:$0x3FD9]  }
0x89: {  	s3 =	sld [smem:$0x3FFE];
	_ =	sdelay $0x1  }
0x8a: {  	s1 =	srdreg.scid  }
0x8b: {  	s0 =	sand.u32 $0x1, s1  }
0x8c: {  	s17 =	sshll.u32 s0, $0xA;
	s2 =	sadd.s32 s3, s2  }
0x8d: {  	s2 =	sadd.s32 s2, s17  }
0x8e: {  	[smem:$0x3FC3] =	sst s2  }
0x8f: {  	_ = 	snop  }
0x90: {  	s2 =	sld [smem:$0x3FC7];
	(tm) =	ssettm $0x1  }
0x91: {  	s18 =	sld [smem:$0x3FFB];
	_ =	sdelay $0x3  }
0x92: {  	_ =	strace s18  }
0x93: {  	s3 =	sld [smem:$0x3FFC];
	_ =	sdelay $0x3  }
0x94: {  	_ =	strace s3  }
0x95: {  	s3 =	sld [smem:$0x3FFD];
	_ =	sdelay $0x3  }
0x96: {  	_ =	strace s3  }
0x97: {  	_ =	strace $0x8FFFFFFF  }
0x98: {  	s19 =	sld [smem:$0x3FDB];
	_ =	sdelay $0x1  }
0x99: {  	s4 =	simm.s32 $_scs_section_size  }
0x9a: {  	s5 =	simm.s32 $_size__tile_overlayer_lowered;
	s6 =	simm.s32 $_tile_overlayer_lowered  }
0x9b: {  	s22 =	simm.s32 $0x1BFF;
	s21 =	sshll.u32 s6, $0x1;
	s3 =	sadd.s32 s4, s19  }
0x9c: {  	s7 =	simm.s32 $0x0;
	s20 =	sshll.u32 s5, $0x1;
	s5 =	sadd.s32 s21, s3  }
0x9d: {  	[timem:s7], [sflag:s22] =	dma.local [hbm:s5], s20  }
0x9e: {  	_ =	swait.ge [sflag:s22], s20  }
0x9f: {  	s4 =	ssub.s32 $0x0, s20;
	[sflag:s22] =	ssyncset.done $0x0  }
0xa0: {  	[sflag:s22] =	ssyncadd.s32 s4;
	_ =	sdelay $0x1  }
0xa1: {  	s23 =	simm.s32 $0x1B8B  }
0xa2: {  	_ =	swait.ge [sflag:s23], $0x1  }
0xa3: {  	[sflag:s23] =	ssyncset.done $0x0  }
0xa4: {  	s25 =	simm.s32 $0x1B8E;
	s24 =	sld [smem:$0x3FFE];
	[sflag:s23] =	ssyncadd.s32 $0xFFFFFFFF  }
0xa5: {  	s26 =	simm.s32 $execute0_lowered;
	[smem:$0x3FD2] =	sst s25  }
0xa6: {  	s5 =	sshll.u32 s26, $0x1;
	_ =	strace $0x80000046;
	[dreg:$0x1] =	wrdreg $0xFFFFFFFF  }
0xa7: {  	s28 =	simm.s32 $_size_execute0_lowered;
	s3 =	sadd.s32 s3, s5;
	[dreg:$0x0] =	wrdreg $0x0  }
0xa8: {  	s5 =	sshll.u32 s28, $0x1;
	[dreg:$0x2] =	wrdreg s3  }
0xa9: {  	[dreg:$0x3] =	wrdreg s5  }
0xaa: {  	[dreg:$0x4] =	wrdreg $0xC0  }
0xab: {  	_ =	task [dreg:s7], $0x5FFFF  }
0xac: {  	[dreg:$0x1] =	wrdreg $0xFFFFFFFF  }
0xad: {  	[dreg:$0x0] =	wrdreg $0x60  }
0xae: {  	[dreg:$0x2] =	wrdreg s24  }
0xaf: {  	[dreg:$0x3] =	wrdreg s2  }
0xb0: {  	[dreg:$0x4] =	wrdreg $0x9  }
0xb1: {  	_ =	task.clear_ibuf [dreg:s7], $0x5FFFF;
	_ =	strace $0x90000046  }
0xb2: {  	s29 =	simm.s32 $0x9;
	_ =	strace $0x80000048  }
0xb3: {  	_ =	swait.ge [sflag:s29], $0x1  }
0xb4: {  	[sflag:s29] =	ssyncadd.s32 $0xFFFFFFFF  }
0xb5: {  	_ =	strace $0x90000048  }
0xb6: {  	_ =	sfence  }
0xb7: {  	s30 =	sld [smem:$0x0];
	_ =	sdelay $0x2  }
0xb8: {  	s31 =	sshll.u32 s1, $0xD;
	s1 =	sshrl.u32 s1, $0x2  }
0xb9: {  	s3 =	sand.u32 $0x4000, s31;
	s1 =	sadd.s32 s1, s30  }
0xba: {  	s0 =	sor.u32 s3, s0;
	s1 =	sshll.u32 s1, $0x11  }
0xbb: {  	s0 =	sor.u32 s1, s0  }
0xbc: {  	s0 =	sadd.s32 $0x8F2B, s0  }
0xbd: {  	[sflag:s0] =	ssyncadd.remote.s32 $0x1  }
0xbe: {  	_ =	sfence.sel $0xFFFF  }
0xbf: {  	[dreg:$0x0] =	wrdreg $0xFFFFFFFF;
	(pc) =	sbr.abs _section_cstart, $3  }
0xc0: {  	[dreg:$0x1] =	wrdreg $0xFFFFFFFF  }
0xc1: {  	_ =	task.clear_ibuf [dreg:s7], $0x2FFFF;
	_ =	strace $0x9FFFFFFF  }
0xc2: {  	(tm) =	ssettm $0x7FFFFFFF  }
0xc3: {  	_ =	shalt  }
tec
execute0_lowered:
.L_overlay_start_1:
0x0: {  	(tag) =	ssettag $0x1  }
0x1: {  	s0 =	rddreg [dreg:$0x0];
	s3 =	simm.s32 $0x0;
	s1 =	srdreg.scid  }
0x2: {  	s2 =	stileid.u32;
	s28 =	simm.s32 $0x2000;
	s30 =	simm.s32 $0x3000  }
0x3: {  	s31 =	simm.s32 $0x7100;
	[smem:$0x7FF] =	sst s3;
	s1 =	sand.u32 $0x1, s1  }
0x4: {  	s4 =	sshll.u32 s2, $0x1;
	s5 =	sadd.s32 $0x400, s0;
	s17 =	sadd.s32 $0x250400, s0  }
0x5: {  	s19 =	sadd.s32 $0xE400, s0;
	s18 =	sshll.u32 s2, $0x11;
	s25 =	sshll.u32 s2, $0x10  }
0x6: {  	_ =	strace $0x80000047;
	s14 =	sor.u32 s1, s4;
	s4 =	sadd.s32 $0x18CE00, s0  }
0x7: {  	s8 =	ssub.s32 $0x2, s1;
	s16 =	sadd.s32 s18, s17;
	s26 =	sadd.s32 s25, s19  }
0x8: {  	s6 =	sshll.u32 s14, $0xA;
	s7 =	sshll.u32 s14, $0x9;
	s9 =	sshll.u32 s14, $0xC  }
0x9: {  	s10 =	sshrl.u32 s8, $0x1;
	s20 =	sshll.u32 s14, $0x5;
	s21 =	sshll.u32 s14, $0x10  }
0xa: {  	s23 =	sshll.u32 s14, $0xF;
	s6 =	sadd.s32 s6, s0;
	s7 =	sadd.s32 s7, s0  }
0xb: {  	s11 =	sadd.s32 s9, s0;
	s12 =	ssub.s32 s8, s10;
	s8 =	sadd.s32 s0, s20  }
0xc: {  	s22 =	sadd.s32 s21, s17;
	s0 =	sadd.s32 s23, s19;
	s20 =	sshll.u32 s1, $0x10  }
0xd: {  	s1 =	sshll.u32 s1, $0xF;
	s6 =	sadd.s32 $0x6400, s6;
	s7 =	sadd.s32 $0x2400, s7  }
0xe: {  	s23 =	simm.s32 $0x80;
	s9 =	sadd.s32 $0x10E400, s11;
	s10 =	sadd.s32 $0x10EC00, s11  }
0xf: {  	s11 =	smax.u32 s12, $0x1;
	s12 =	sadd.s32 $0xF800, s22;
	s13 =	sadd.s32 $0xFC00, s22  }
0x10: {  	s14 =	sadd.s32 $0x7800, s0;
	s15 =	sadd.s32 $0x7C00, s0;
	s16 =	sadd.s32 s20, s16  }
0x11: {  	s24 =	sor.u32 s20, s18;
	s21 =	sor.u32 s1, s25;
	s18 =	sadd.s32 s1, s26  }
0x12: {  	s20 =	simm.s32 $0x3;
	s22 =	simm.s32 $0x1;
	s25 =	simm.s32 $0x2  }
0x13: {  	s1 =	simm.s32 $0xB100;
	s26 =	simm.s32 $0x0;
	[dreg:$0x3] =	wrdreg s6  }
0x14: {  	s0 =	sadd.s32 s24, s17;
	s29 =	sadd.s32 s21, s19;
	s21 =	simm.s32 $0x3100  }
0x15: {  	s24 =	simm.s32 $0x5100;
	s17 =	sadd.s32 $0x400, s0;
	s19 =	sadd.s32 $0x400, s29  }
.LBB2_1:
0x16: {  	s0 =	rddreg [dreg:$0x3]  }
0x17: {  	[tilespmem:s3], [sflag:$0x3] =	stream.linear.gather [hbm4b:s0+s3], $0x2000, $0x38;
	[tilespmem:$0xF100] =	vst v63  }
0x18: {  	_ =	swait.ge [sflag:s20], $0x2000  }
0x19: {  	[sflag:s20] =	ssyncset.done $0x0  }
0x1a: {  	[sflag:s20] =	ssyncadd.s32 $0xFFFFE000  }
0x1b: {  	[tilespmem:s21], [sflag:$0x1] =	stream.indirect.gather [hbm4b:s4+s23], $0x40, s3, s23, $0xb8;
	[tilespmem:$0xF100] =	vst v63  }
0x1c: {  	_ =	swait.ge [sflag:s22], $0x2000  }
0x1d: {  	[sflag:s22] =	ssyncset.done $0x0  }
0x1e: {  	[sflag:s22] =	ssyncadd.s32 $0xFFFFE000  }
0x1f: {  	[tilespmem:s24], [sflag:$0x2] =	stream.indirect.gather [hbm4b:s4+s23], $0x40, s23, s23, $0xb8;
	[tilespmem:$0xF100] =	vst v63  }
0x20: {  	s6 =	sadd.s32 $0x0, s16  }
0x21: {  	[hbm4b:s6+s3] =	stream.linear.scatter [tilespmem:s21], [sflag:$0x3], $0x2000, $0x38;
	[tilespmem:$0xF100] =	vst v63  }
0x22: {  	_ =	swait.ge [sflag:s20], $0x2000  }
0x23: {  	[sflag:s20] =	ssyncset.done $0x0  }
0x24: {  	[sflag:s20] =	ssyncadd.s32 $0xFFFFE000  }
0x25: {  	_ =	swait.ge [sflag:s25], $0x2000  }
0x26: {  	[sflag:s25] =	ssyncset.done $0x0  }
0x27: {  	s2 =	simm.s32 $0x100;
	[sflag:s25] =	ssyncadd.s32 $0xFFFFE000  }
0x28: {  	[tilespmem:s21], [sflag:$0x1] =	stream.indirect.gather [hbm4b:s4+s23], $0x40, s2, s23, $0xb8;
	[tilespmem:$0xF100] =	vst v63  }
0x29: {  	s6 =	sadd.s32 $0x0, s17  }
0x2a: {  	[hbm4b:s6+s3] =	stream.linear.scatter [tilespmem:s24], [sflag:$0x3], $0x2000, $0x38;
	[tilespmem:$0xF100] =	vst v63  }
0x2b: {  	_ =	swait.ge [sflag:s20], $0x2000  }
0x2c: {  	s29 =	simm.s32 $0x800;
	s0 =	simm.s32 $0x80;
	[sflag:s20] =	ssyncset.done $0x0  }
.LBB2_2:
0x2d: {  	p0 =	sne.s32 s29, $0xF000;
	[sflag:s20] =	ssyncadd.s32 $0xFFFFE000;
	s0 =	sadd.s32 $0x100, s0  }
0x2e: {  	s2 =	smov.u32 s29;
	s29 =	sadd.s32 $0x800, s29  }
0x2f: {  	_ =	swait.ge [sflag:s22], $0x2000  }
0x30: {  	[sflag:s22] =	ssyncset.done $0x0  }
0x31: {  	[sflag:s22] =	ssyncadd.s32 $0xFFFFE000  }
0x32: {  	[tilespmem:s24], [sflag:$0x2] =	stream.indirect.gather [hbm4b:s4+s23], $0x40, s0, s23, $0xb8;
	[tilespmem:$0xF100] =	vst v63  }
0x33: {  	s6 =	sadd.s32 s2, s16  }
0x34: {  	[hbm4b:s6+s3] =	stream.linear.scatter [tilespmem:s21], [sflag:$0x3], $0x2000, $0x38;
	[tilespmem:$0xF100] =	vst v63  }
0x35: {  	_ =	swait.ge [sflag:s20], $0x2000  }
0x36: {  	[sflag:s20] =	ssyncset.done $0x0  }
0x37: {  	[sflag:s20] =	ssyncadd.s32 $0xFFFFE000  }
0x38: {  	_ =	swait.ge [sflag:s25], $0x2000  }
0x39: {  	[sflag:s25] =	ssyncset.done $0x0  }
0x3a: {  	s6 =	sadd.s32 $0x80, s0;
	[sflag:s25] =	ssyncadd.s32 $0xFFFFE000  }
0x3b: {  	[tilespmem:s21], [sflag:$0x1] =	stream.indirect.gather [hbm4b:s4+s23], $0x40, s6, s23, $0xb8;
	[tilespmem:$0xF100] =	vst v63  }
.Ltmp0:
0x3c: {  	_ = 	snop;
	(pc) =	sbr.rel @p0 .LBB2_2-.Ltmp0, $4  }
0x3d: {  	s2 =	sadd.s32 s2, s17  }
0x3e: {  	[hbm4b:s2+s3] =	stream.linear.scatter [tilespmem:s24], [sflag:$0x3], $0x2000, $0x38;
	[tilespmem:$0xF100] =	vst v63  }
0x3f: {  	_ =	swait.ge [sflag:s20], $0x2000  }
0x40: {  	[sflag:s20] =	ssyncset.done $0x0  }
0x41: {  	[sflag:s20] =	ssyncadd.s32 $0xFFFFE000  }
0x42: {  	_ =	swait.ge [sflag:s22], $0x2000  }
0x43: {  	[sflag:s22] =	ssyncset.done $0x0  }
0x44: {  	s0 =	simm.s32 $0x1F80;
	[sflag:s22] =	ssyncadd.s32 $0xFFFFE000  }
0x45: {  	[tilespmem:s24], [sflag:$0x2] =	stream.indirect.gather [hbm4b:s4+s23], $0x40, s0, s23, $0xb8;
	[tilespmem:$0xF100] =	vst v63  }
0x46: {  	s2 =	simm.s32 $0x0  }
0x47: {  	[hbm4b:s12+s2] =	stream.linear.scatter [tilespmem:s21], [sflag:$0x3], $0x2000, $0x38;
	[tilespmem:$0xF100] =	vst v63  }
0x48: {  	_ =	swait.ge [sflag:s20], $0x2000  }
0x49: {  	[sflag:s20] =	ssyncset.done $0x0  }
0x4a: {  	[sflag:s20] =	ssyncadd.s32 $0xFFFFE000  }
0x4b: {  	_ =	swait.ge [sflag:s25], $0x2000  }
0x4c: {  	[sflag:s25] =	ssyncset.done $0x0  }
0x4d: {  	[sflag:s25] =	ssyncadd.s32 $0xFFFFE000  }
0x4e: {  	[hbm4b:s13+s2] =	stream.linear.scatter [tilespmem:s24], [sflag:$0x3], $0x2000, $0x38;
	[tilespmem:$0xF100] =	vst v63  }
0x4f: {  	_ =	swait.ge [sflag:s20], $0x2000  }
0x50: {  	[sflag:s20] =	ssyncset.done $0x0  }
0x51: {  	[sflag:s20] =	ssyncadd.s32 $0xFFFFE000  }
0x52: {  	[tilespmem:s28], [sflag:$0x3] =	stream.linear.gather [hbm4b:s7+s2], $0x1000, $0x38;
	[tilespmem:$0xF100] =	vst v63  }
0x53: {  	_ =	swait.ge [sflag:s20], $0x1000  }
0x54: {  	[sflag:s20] =	ssyncset.done $0x0  }
0x55: {  	[sflag:s20] =	ssyncadd.s32 $0xFFFFF000  }
0x56: {  	[tilespmem:s21], [sflag:$0x1] =	stream.indirect.gather [hbm4b:s5+s23], $0x40, s28, s23, $0xb8;
	[tilespmem:$0xF100] =	vst v63  }
0x57: {  	_ =	swait.ge [sflag:s22], $0x2000  }
0x58: {  	[sflag:s22] =	ssyncset.done $0x0  }
0x59: {  	s29 =	simm.s32 $0x2080;
	[sflag:s22] =	ssyncadd.s32 $0xFFFFE000  }
0x5a: {  	[tilespmem:s24], [sflag:$0x2] =	stream.indirect.gather [hbm4b:s5+s23], $0x40, s29, s23, $0xb8;
	[tilespmem:$0xF100] =	vst v63  }
0x5b: {  	s6 =	sadd.s32 $0x0, s18  }
0x5c: {  	[hbm4b:s6+s3] =	stream.linear.scatter [tilespmem:s21], [sflag:$0x3], $0x2000, $0x38;
	[tilespmem:$0xF100] =	vst v63  }
0x5d: {  	_ =	swait.ge [sflag:s20], $0x2000  }
0x5e: {  	[sflag:s20] =	ssyncset.done $0x0  }
0x5f: {  	[sflag:s20] =	ssyncadd.s32 $0xFFFFE000  }
0x60: {  	_ =	swait.ge [sflag:s25], $0x2000  }
0x61: {  	[sflag:s25] =	ssyncset.done $0x0  }
0x62: {  	s2 =	simm.s32 $0x2100;
	[sflag:s25] =	ssyncadd.s32 $0xFFFFE000  }
0x63: {  	[tilespmem:s21], [sflag:$0x1] =	stream.indirect.gather [hbm4b:s5+s23], $0x40, s2, s23, $0xb8;
	[tilespmem:$0xF100] =	vst v63  }
0x64: {  	s6 =	sadd.s32 $0x0, s19  }
0x65: {  	[hbm4b:s6+s3] =	stream.linear.scatter [tilespmem:s24], [sflag:$0x3], $0x2000, $0x38;
	[tilespmem:$0xF100] =	vst v63  }
0x66: {  	_ =	swait.ge [sflag:s20], $0x2000  }
0x67: {  	s0 =	simm.s32 $0x800;
	[sflag:s20] =	ssyncset.done $0x0  }
.LBB2_4:
0x68: {  	p0 =	sne.s32 s0, $0x7000;
	[sflag:s20] =	ssyncadd.s32 $0xFFFFE000;
	s29 =	sadd.s32 $0x100, s29  }
0x69: {  	s2 =	smov.u32 s0;
	s0 =	sadd.s32 $0x800, s0  }
0x6a: {  	_ =	swait.ge [sflag:s22], $0x2000  }
0x6b: {  	[sflag:s22] =	ssyncset.done $0x0  }
0x6c: {  	[sflag:s22] =	ssyncadd.s32 $0xFFFFE000  }
0x6d: {  	[tilespmem:s24], [sflag:$0x2] =	stream.indirect.gather [hbm4b:s5+s23], $0x40, s29, s23, $0xb8;
	[tilespmem:$0xF100] =	vst v63  }
0x6e: {  	s6 =	sadd.s32 s2, s18  }
0x6f: {  	[hbm4b:s6+s3] =	stream.linear.scatter [tilespmem:s21], [sflag:$0x3], $0x2000, $0x38;
	[tilespmem:$0xF100] =	vst v63  }
0x70: {  	_ =	swait.ge [sflag:s20], $0x2000  }
0x71: {  	[sflag:s20] =	ssyncset.done $0x0  }
0x72: {  	[sflag:s20] =	ssyncadd.s32 $0xFFFFE000  }
0x73: {  	_ =	swait.ge [sflag:s25], $0x2000  }
0x74: {  	[sflag:s25] =	ssyncset.done $0x0  }
0x75: {  	s6 =	sadd.s32 $0x80, s29;
	[sflag:s25] =	ssyncadd.s32 $0xFFFFE000  }
0x76: {  	[tilespmem:s21], [sflag:$0x1] =	stream.indirect.gather [hbm4b:s5+s23], $0x40, s6, s23, $0xb8;
	[tilespmem:$0xF100] =	vst v63  }
.Ltmp1:
0x77: {  	_ = 	snop;
	(pc) =	sbr.rel @p0 .LBB2_4-.Ltmp1, $4  }
0x78: {  	s2 =	sadd.s32 s2, s19  }
0x79: {  	[hbm4b:s2+s3] =	stream.linear.scatter [tilespmem:s24], [sflag:$0x3], $0x2000, $0x38;
	[tilespmem:$0xF100] =	vst v63  }
0x7a: {  	_ =	swait.ge [sflag:s20], $0x2000  }
0x7b: {  	[sflag:s20] =	ssyncset.done $0x0  }
0x7c: {  	[sflag:s20] =	ssyncadd.s32 $0xFFFFE000  }
0x7d: {  	_ =	swait.ge [sflag:s22], $0x2000  }
0x7e: {  	[sflag:s22] =	ssyncset.done $0x0  }
0x7f: {  	s0 =	simm.s32 $0x2F80;
	[sflag:s22] =	ssyncadd.s32 $0xFFFFE000  }
0x80: {  	[tilespmem:s24], [sflag:$0x2] =	stream.indirect.gather [hbm4b:s5+s23], $0x40, s0, s23, $0xb8;
	[tilespmem:$0xF100] =	vst v63  }
0x81: {  	_ = 	snop  }
0x82: {  	[hbm4b:s14+s3] =	stream.linear.scatter [tilespmem:s21], [sflag:$0x3], $0x2000, $0x38;
	[tilespmem:$0xF100] =	vst v63  }
0x83: {  	_ =	swait.ge [sflag:s20], $0x2000  }
0x84: {  	[sflag:s20] =	ssyncset.done $0x0  }
0x85: {  	[sflag:s20] =	ssyncadd.s32 $0xFFFFE000  }
0x86: {  	_ =	swait.ge [sflag:s25], $0x2000  }
0x87: {  	[sflag:s25] =	ssyncset.done $0x0  }
0x88: {  	[sflag:s25] =	ssyncadd.s32 $0xFFFFE000  }
0x89: {  	[hbm4b:s15+s3] =	stream.linear.scatter [tilespmem:s24], [sflag:$0x3], $0x2000, $0x38;
	[tilespmem:$0xF100] =	vst v63  }
0x8a: {  	_ =	swait.ge [sflag:s20], $0x2000  }
0x8b: {  	[sflag:s20] =	ssyncset.done $0x0  }
0x8c: {  	[sflag:s20] =	ssyncadd.s32 $0xFFFFE000  }
0x8d: {  	[tilespmem:s30], [sflag:$0x3] =	stream.linear.gather [hbm4b:s8+s3], $0x100, $0x38;
	[tilespmem:$0xF100] =	vst v63  }
0x8e: {  	_ =	swait.ge [sflag:s20], $0x100  }
0x8f: {  	[sflag:s20] =	ssyncset.done $0x0  }
0x90: {  	[sflag:s20] =	ssyncadd.s32 $0xFFFFFF00  }
0x91: {  	s29 =	rddreg [dreg:$0x1]  }
0x92: {  	[tilespmem:s31], [sflag:$0x1] =	stream.indirect.gather [hbm4b:s29+s23], $0x80, s30, s23, $0xb8;
	[tilespmem:$0xF100] =	vst v63  }
0x93: {  	_ =	swait.ge [sflag:s22], $0x4000  }
0x94: {  	[sflag:s22] =	ssyncset.done $0x0  }
0x95: {  	s2 =	simm.s32 $0x3080;
	[sflag:s22] =	ssyncadd.s32 $0xFFFFC000  }
0x96: {  	[tilespmem:s1], [sflag:$0x2] =	stream.indirect.gather [hbm4b:s29+s23], $0x80, s2, s23, $0xb8;
	[tilespmem:$0xF100] =	vst v63  }
0x97: {  	_ = 	snop  }
0x98: {  	[hbm4b:s9+s3] =	stream.linear.scatter [tilespmem:s31], [sflag:$0x3], $0x4000, $0x38;
	[tilespmem:$0xF100] =	vst v63  }
0x99: {  	_ =	swait.ge [sflag:s20], $0x4000  }
0x9a: {  	[sflag:s20] =	ssyncset.done $0x0  }
0x9b: {  	[sflag:s20] =	ssyncadd.s32 $0xFFFFC000  }
0x9c: {  	s26 =	sadd.s32 $0x1, s26;
	_ =	swait.ge [sflag:s25], $0x4000  }
0x9d: {  	p0 =	sne.s32 s26, s11;
	[sflag:s25] =	ssyncset.done $0x0  }
.Ltmp2:
0x9e: {  	[sflag:s25] =	ssyncadd.s32 $0xFFFFC000;
	(pc) =	sbr.rel @p0 .LBB2_1-.Ltmp2, $4  }
0x9f: {  	[hbm4b:s10+s3] =	stream.linear.scatter [tilespmem:s1], [sflag:$0x3], $0x4000, $0x38;
	[tilespmem:$0xF100] =	vst v63  }
0xa0: {  	_ =	swait.ge [sflag:s20], $0x4000  }
0xa1: {  	[sflag:s20] =	ssyncset.done $0x0  }
0xa2: {  	[sflag:s20] =	ssyncadd.s32 $0xFFFFC000  }
0xa3: {  	_ =	sfence.sel $0x180000  }
0xa4: {  	[bflag:$0x0] =	sbarrier.arrive $0xFFFF  }
0xa5: {  	_ =	strace $0x90000047  }
0xa6: {  	s0 =	stileid.u32;
	[bflag:$0x2] =	sbarrier.arrive $0xFFFF  }
0xa7: {  	p0 =	sne.s32 s0, $0x0;
	s0 =	rddreg [dreg:$0x2]  }
0xa8: {  	s0 =	sadd.s32 @!p0 $0x100000, s0  }
0xa9: {  	[sflag:s0] =	ssyncadd.tile.s32 @!p0 $0x1;
	_ =	shalt  }
.Lfunc_end2:
_tile_overlayer_lowered:
.L_overlay_start_2:
0xaa: {  	(tag) =	ssettag $0x2  }
0xab: {  	s0 =	rddreg [dreg:$0x0];
	s2 =	stileid.u32  }
0xac: {  	s1 =	rddreg [dreg:$0x1];
	p0 =	sne.s32 s2, $0x0  }
0xad: {  	s3 =	rddreg [dreg:$0x2];
	[bflag:$0x3] =	sbarrier.arrive $0xFFFF;
	s2 =	simm.s32 @!p0 $0x1C03  }
0xae: {  	[timem:s3], [sflag:s2] =	dma.local @!p0 [hbm:s0], s1  }
0xaf: {  	s0 =	simm.s32 @!p0 $0x3  }
0xb0: {  	_ =	swait.ge @!p0 [sflag:s0], s1  }
0xb1: {  	s1 =	ssub.s32 @!p0 $0x0, s1;
	[sflag:s0] =	ssyncset.done @!p0 $0x0  }
0xb2: {  	[sflag:s0] =	ssyncadd.s32 @!p0 s1  }
0xb3: {  	[bflag:$0x3] =	sbarrier.arrive $0xFFFF  }
0xb4: {  	_ =	shalt  }

</sc_bundles>
